<compile_context>
chip_gen: v7x
topology: tpu7x:2x2x1
jax: 0.10.2.dev20260603
libtpu: 0.0.44.dev20260713+nightly
codegen_flags: <defaults>
</compile_context>

<pallas_src>
import functools

import jax
import jax.numpy as jnp
from jax import lax
from jax.experimental import pallas as pl
from jax.experimental.pallas import tpu as pltpu
from jax.experimental.pallas import tpu_sc as plsc

_info = plsc.get_sparse_core_info()
_NC, _NS, _L = 1, _info.num_subcores, _info.num_lanes
_NW = _NC * _NS

_B = 16384
_PER_W = _B // _NW
_VECS = _PER_W // _L


def _make_kernel():
    mesh = plsc.VectorSubcoreMesh(core_axis_name="c", subcore_axis_name="s", num_cores=1)

    @functools.partial(
        pl.kernel,
        mesh=mesh,
        out_type=jax.ShapeDtypeStruct((_B,), jnp.float32),
        scratch_types=[
            pltpu.VMEM((_PER_W,), jnp.int32),
            pltpu.VMEM((_L,), jnp.float32),
            pltpu.VMEM((_PER_W,), jnp.float32),
            pltpu.SemaphoreType.DMA,
            pltpu.SemaphoreType.DMA,
        ],
    )
    def lookup(idx_hbm, tab_hbm, out_hbm, idx_v, tab_v, out_v, sem_i, sem_t):
        wid = lax.axis_index("s") * _NC + lax.axis_index("c")
        base = wid * _PER_W
        cp_i = pltpu.async_copy(idx_hbm.at[pl.ds(base, _PER_W)], idx_v, sem_i)
        cp_t = pltpu.async_copy(tab_hbm, tab_v.at[pl.ds(0, 2)], sem_t)
        cp_t.wait()
        cp_i.wait()
        tv = tab_v[...]
        t0 = tv[0]
        t1 = tv[1]
        for i in range(_VECS):
            iv = idx_v[pl.ds(i * _L, _L)]
            out_v[pl.ds(i * _L, _L)] = jnp.where(iv != 0, t1, t0)
        pltpu.sync_copy(out_v, out_hbm.at[pl.ds(base, _PER_W)])

    return lookup


_lookup = _make_kernel()


@jax.jit
def kernel(indices, table):
    idx = indices.astype(jnp.int32)
    tab = table.reshape((2,)).astype(jnp.float32)
    out = _lookup(idx, tab)
    return out.reshape((_B, 1))

# --- scband reference (transcript-rebuilt; emitter-appended) ---
"""Pipeline reference for scband-exposure-time-33071248179625 (READ-ONLY COPY).

The authoritative reference and input builder live on the scoring server;
editing this copy changes nothing except your own understanding.
"""

import jax, jax.numpy as jnp
import numpy as np

def setup_inputs(seed: int = 0) -> dict:
    key = jax.random.key(seed)
    k1, k2 = jax.random.split(key)
    indices = jax.random.randint(k1, (16384,), 0, 2, dtype=jnp.int64 if jax.config.jax_enable_x64 else jnp.int32)
    # nn.Embedding(2, 1) weight: normal(0, 1), shape [2, 1]
    table = jax.random.normal(k2, (2, 1), dtype=jnp.float32)
    return {"indices": indices, "table": table}

def reference(indices, table):
    # ExposureTime holds nn.Embedding(2, 1); forward = lookup of per-exposure scalar params
    return jnp.take(table, indices, axis=0)

if __name__ == "__main__":
    import jax
    _d = setup_inputs()
    print(jax.jit(kernel)(*tuple(_d.values())))

</pallas_src>

<mosaic_0001>
#map = affine_map<(d0, d1) -> (0)>
module attributes {stable_mosaic.version = 14 : i64} {
  func.func @lookup(%arg0: i32, %arg1: i32, %arg2: memref<16384xi32, #tpu.memory_space<hbm>>, %arg3: memref<2xf32, #tpu.memory_space<hbm>>, %arg4: memref<16384xf32, #tpu.memory_space<hbm>>, %arg5: memref<1024xi32, #tpu.memory_space<vmem>>, %arg6: memref<16xf32, #tpu.memory_space<vmem>>, %arg7: memref<1024xf32, #tpu.memory_space<vmem>>, %arg8: memref<!tpu.dma_semaphore, #tpu.memory_space<semaphore_mem>>, %arg9: memref<!tpu.dma_semaphore, #tpu.memory_space<semaphore_mem>>) attributes {dimension_semantics = [#tpu.dimension_semantics<core_parallel>, #tpu.dimension_semantics<subcore_parallel>], iteration_bounds = array<i64: 1, 16>, scalar_prefetch = 0 : i64, scratch_operands = 5 : i64, tpu.core_type = #tpu.core_type<sc_vector_subcore>, window_params = [{transform_indices = #map}, {transform_indices = #map}, {transform_indices = #map}]} {
    %mul3A = arith.constant 1 : i32
    %mul3A_0 = arith.muli %arg1, %mul3A : i32
    %add3A = arith.addi %mul3A_0, %arg0 : i32
    %mul3A_1 = arith.constant 1024 : i32
    %mul3A_2 = arith.muli %add3A, %mul3A_1 : i32
    %dma_start3A = tpu.memref_slice %arg2[%mul3A_2] : memref<16384xi32, #tpu.memory_space<hbm>> -> memref<1024xi32, #tpu.memory_space<hbm>>
    %dma_start3A_3 = tpu.memref_slice %arg2[%mul3A_2] : memref<16384xi32, #tpu.memory_space<hbm>> -> memref<1024xi32, #tpu.memory_space<hbm>>
    tpu.enqueue_dma source(%dma_start3A_3 : memref<1024xi32, #tpu.memory_space<hbm>>) target(%arg5 : memref<1024xi32, #tpu.memory_space<vmem>>) target_semaphore(%arg8 : memref<!tpu.dma_semaphore, #tpu.memory_space<semaphore_mem>>)
    %dma_start3A_4 = arith.constant 0 : i32
    %dma_start3A_5 = tpu.memref_slice %arg6[%dma_start3A_4] : memref<16xf32, #tpu.memory_space<vmem>> -> memref<2xf32, #tpu.memory_space<vmem>>
    %dma_start3A_6 = arith.constant 0 : i32
    %dma_start3A_7 = tpu.memref_slice %arg6[%dma_start3A_6] : memref<16xf32, #tpu.memory_space<vmem>> -> memref<2xf32, #tpu.memory_space<vmem>>
    tpu.enqueue_dma source(%arg3 : memref<2xf32, #tpu.memory_space<hbm>>) target(%dma_start3A_7 : memref<2xf32, #tpu.memory_space<vmem>>) target_semaphore(%arg9 : memref<!tpu.dma_semaphore, #tpu.memory_space<semaphore_mem>>)
    %dma_wait3A = arith.constant 0 : i32
    %dma_wait3A_8 = tpu.memref_slice %arg6[%dma_wait3A] : memref<16xf32, #tpu.memory_space<vmem>> -> memref<2xf32, #tpu.memory_space<vmem>>
    %dma_wait3A_9 = arith.constant 0 : i32
    %dma_wait3A_10 = tpu.memref_slice %arg6[%dma_wait3A_9] : memref<16xf32, #tpu.memory_space<vmem>> -> memref<2xf32, #tpu.memory_space<vmem>>
    tpu.wait_dma2 semaphore(%arg9 : memref<!tpu.dma_semaphore, #tpu.memory_space<semaphore_mem>>) src(%arg3 : memref<2xf32, #tpu.memory_space<hbm>>) dst(%dma_wait3A_10 : memref<2xf32, #tpu.memory_space<vmem>>)
    %dma_wait3A_11 = tpu.memref_slice %arg2[%mul3A_2] : memref<16384xi32, #tpu.memory_space<hbm>> -> memref<1024xi32, #tpu.memory_space<hbm>>
    %dma_wait3A_12 = tpu.memref_slice %arg2[%mul3A_2] : memref<16384xi32, #tpu.memory_space<hbm>> -> memref<1024xi32, #tpu.memory_space<hbm>>
    tpu.wait_dma2 semaphore(%arg8 : memref<!tpu.dma_semaphore, #tpu.memory_space<semaphore_mem>>) src(%dma_wait3A_12 : memref<1024xi32, #tpu.memory_space<hbm>>) dst(%arg5 : memref<1024xi32, #tpu.memory_space<vmem>>)
    %get3A = arith.constant 0 : index
    %get3A_13 = tpu.vector_load %arg6[%get3A] {strides = array<i32>} : memref<16xf32, #tpu.memory_space<vmem>>, vector<16xf32>,
    %get3A_14 = vector.shape_cast %get3A_13 : vector<16xf32> to vector<16xf32>
    %slice3A = vector.extract_strided_slice %get3A_14 {offsets = [0], sizes = [1], strides = [1]} : vector<16xf32> to vector<1xf32>
    %squeeze3A = vector.extract %slice3A[0] : f32 from vector<1xf32>
    %slice3A_15 = vector.extract_strided_slice %get3A_14 {offsets = [1], sizes = [1], strides = [1]} : vector<16xf32> to vector<1xf32>
    %squeeze3A_16 = vector.extract %slice3A_15[0] : f32 from vector<1xf32>
    %get3A_17 = arith.constant 0 : index
    %get3A_18 = tpu.vector_load %arg5[%get3A_17] {strides = array<i32>} : memref<1024xi32, #tpu.memory_space<vmem>>, vector<16xi32>,
    %get3A_19 = vector.shape_cast %get3A_18 : vector<16xi32> to vector<16xi32>
    %ne3A = arith.constant 0 : i32
    %ne3A_20 = vector.broadcast %ne3A : i32 to vector<16xi32>
    %ne3A_21 = arith.cmpi ne, %get3A_19, %ne3A_20 : vector<16xi32>
    %broadcast_in_dim3A = vector.broadcast %squeeze3A_16 : f32 to vector<16xf32>
    %broadcast_in_dim3A_22 = vector.broadcast %squeeze3A : f32 to vector<16xf32>
    %select_n3A = arith.select %ne3A_21, %broadcast_in_dim3A, %broadcast_in_dim3A_22 : vector<16xi1>, vector<16xf32>
    %swap3A = arith.constant 0 : index
    %swap3A_23 = tpu.vector_load %arg7[%swap3A] {strides = array<i32>} : memref<1024xf32, #tpu.memory_space<vmem>>, vector<16xf32>,
    %swap3A_24 = vector.shape_cast %swap3A_23 : vector<16xf32> to vector<16xf32>
    %swap3A_25 = vector.shape_cast %select_n3A : vector<16xf32> to vector<16xf32>
    tpu.vector_store %arg7[%swap3A], %swap3A_25 {strides = array<i32>} : memref<1024xf32, #tpu.memory_space<vmem>>, vector<16xf32>,
    %get3A_26 = arith.constant 16 : index
    %get3A_27 = tpu.vector_load %arg5[%get3A_26] {strides = array<i32>} : memref<1024xi32, #tpu.memory_space<vmem>>, vector<16xi32>,
    %get3A_28 = vector.shape_cast %get3A_27 : vector<16xi32> to vector<16xi32>
    %ne3A_29 = arith.constant 0 : i32
    %ne3A_30 = vector.broadcast %ne3A_29 : i32 to vector<16xi32>
    %ne3A_31 = arith.cmpi ne, %get3A_28, %ne3A_30 : vector<16xi32>
    %broadcast_in_dim3A_32 = vector.broadcast %squeeze3A_16 : f32 to vector<16xf32>
    %broadcast_in_dim3A_33 = vector.broadcast %squeeze3A : f32 to vector<16xf32>
    %select_n3A_34 = arith.select %ne3A_31, %broadcast_in_dim3A_32, %broadcast_in_dim3A_33 : vector<16xi1>, vector<16xf32>
    %swap3A_35 = arith.constant 16 : index
    %swap3A_36 = tpu.vector_load %arg7[%swap3A_35] {strides = array<i32>} : memref<1024xf32, #tpu.memory_space<vmem>>, vector<16xf32>,
    %swap3A_37 = vector.shape_cast %swap3A_36 : vector<16xf32> to vector<16xf32>
    %swap3A_38 = vector.shape_cast %select_n3A_34 : vector<16xf32> to vector<16xf32>
    tpu.vector_store %arg7[%swap3A_35], %swap3A_38 {strides = array<i32>} : memref<1024xf32, #tpu.memory_space<vmem>>, vector<16xf32>,
    %get3A_39 = arith.constant 32 : index
    %get3A_40 = tpu.vector_load %arg5[%get3A_39] {strides = array<i32>} : memref<1024xi32, #tpu.memory_space<vmem>>, vector<16xi32>,
    %get3A_41 = vector.shape_cast %get3A_40 : vector<16xi32> to vector<16xi32>
    %ne3A_42 = arith.constant 0 : i32
    %ne3A_43 = vector.broadcast %ne3A_42 : i32 to vector<16xi32>
    %ne3A_44 = arith.cmpi ne, %get3A_41, %ne3A_43 : vector<16xi32>
    %broadcast_in_dim3A_45 = vector.broadcast %squeeze3A_16 : f32 to vector<16xf32>
    %broadcast_in_dim3A_46 = vector.broadcast %squeeze3A : f32 to vector<16xf32>
    %select_n3A_47 = arith.select %ne3A_44, %broadcast_in_dim3A_45, %broadcast_in_dim3A_46 : vector<16xi1>, vector<16xf32>
    %swap3A_48 = arith.constant 32 : index
    %swap3A_49 = tpu.vector_load %arg7[%swap3A_48] {strides = array<i32>} : memref<1024xf32, #tpu.memory_space<vmem>>, vector<16xf32>,
    %swap3A_50 = vector.shape_cast %swap3A_49 : vector<16xf32> to vector<16xf32>
    %swap3A_51 = vector.shape_cast %select_n3A_47 : vector<16xf32> to vector<16xf32>
    tpu.vector_store %arg7[%swap3A_48], %swap3A_51 {strides = array<i32>} : memref<1024xf32, #tpu.memory_space<vmem>>, vector<16xf32>,
    %get3A_52 = arith.constant 48 : index
    %get3A_53 = tpu.vector_load %arg5[%get3A_52] {strides = array<i32>} : memref<1024xi32, #tpu.memory_space<vmem>>, vector<16xi32>,
    %get3A_54 = vector.shape_cast %get3A_53 : vector<16xi32> to vector<16xi32>
    %ne3A_55 = arith.constant 0 : i32
    %ne3A_56 = vector.broadcast %ne3A_55 : i32 to vector<16xi32>
    %ne3A_57 = arith.cmpi ne, %get3A_54, %ne3A_56 : vector<16xi32>
    %broadcast_in_dim3A_58 = vector.broadcast %squeeze3A_16 : f32 to vector<16xf32>
    %broadcast_in_dim3A_59 = vector.broadcast %squeeze3A : f32 to vector<16xf32>
    %select_n3A_60 = arith.select %ne3A_57, %broadcast_in_dim3A_58, %broadcast_in_dim3A_59 : vector<16xi1>, vector<16xf32>
    %swap3A_61 = arith.constant 48 : index
    %swap3A_62 = tpu.vector_load %arg7[%swap3A_61] {strides = array<i32>} : memref<1024xf32, #tpu.memory_space<vmem>>, vector<16xf32>,
    %swap3A_63 = vector.shape_cast %swap3A_62 : vector<16xf32> to vector<16xf32>
    %swap3A_64 = vector.shape_cast %select_n3A_60 : vector<16xf32> to vector<16xf32>
    tpu.vector_store %arg7[%swap3A_61], %swap3A_64 {strides = array<i32>} : memref<1024xf32, #tpu.memory_space<vmem>>, vector<16xf32>,
    %get3A_65 = arith.constant 64 : index
    %get3A_66 = tpu.vector_load %arg5[%get3A_65] {strides = array<i32>} : memref<1024xi32, #tpu.memory_space<vmem>>, vector<16xi32>,
    %get3A_67 = vector.shape_cast %get3A_66 : vector<16xi32> to vector<16xi32>
    %ne3A_68 = arith.constant 0 : i32
    %ne3A_69 = vector.broadcast %ne3A_68 : i32 to vector<16xi32>
    %ne3A_70 = arith.cmpi ne, %get3A_67, %ne3A_69 : vector<16xi32>
    %broadcast_in_dim3A_71 = vector.broadcast %squeeze3A_16 : f32 to vector<16xf32>
    %broadcast_in_dim3A_72 = vector.broadcast %squeeze3A : f32 to vector<16xf32>
    %select_n3A_73 = arith.select %ne3A_70, %broadcast_in_dim3A_71, %broadcast_in_dim3A_72 : vector<16xi1>, vector<16xf32>
    %swap3A_74 = arith.constant 64 : index
    %swap3A_75 = tpu.vector_load %arg7[%swap3A_74] {strides = array<i32>} : memref<1024xf32, #tpu.memory_space<vmem>>, vector<16xf32>,
    %swap3A_76 = vector.shape_cast %swap3A_75 : vector<16xf32> to vector<16xf32>
    %swap3A_77 = vector.shape_cast %select_n3A_73 : vector<16xf32> to vector<16xf32>
    tpu.vector_store %arg7[%swap3A_74], %swap3A_77 {strides = array<i32>} : memref<1024xf32, #tpu.memory_space<vmem>>, vector<16xf32>,
    %get3A_78 = arith.constant 80 : index
    %get3A_79 = tpu.vector_load %arg5[%get3A_78] {strides = array<i32>} : memref<1024xi32, #tpu.memory_space<vmem>>, vector<16xi32>,
    %get3A_80 = vector.shape_cast %get3A_79 : vector<16xi32> to vector<16xi32>
    %ne3A_81 = arith.constant 0 : i32
    %ne3A_82 = vector.broadcast %ne3A_81 : i32 to vector<16xi32>
    %ne3A_83 = arith.cmpi ne, %get3A_80, %ne3A_82 : vector<16xi32>
    %broadcast_in_dim3A_84 = vector.broadcast %squeeze3A_16 : f32 to vector<16xf32>
    %broadcast_in_dim3A_85 = vector.broadcast %squeeze3A : f32 to vector<16xf32>
    %select_n3A_86 = arith.select %ne3A_83, %broadcast_in_dim3A_84, %broadcast_in_dim3A_85 : vector<16xi1>, vector<16xf32>
    %swap3A_87 = arith.constant 80 : index
    %swap3A_88 = tpu.vector_load %arg7[%swap3A_87] {strides = array<i32>} : memref<1024xf32, #tpu.memory_space<vmem>>, vector<16xf32>,
    %swap3A_89 = vector.shape_cast %swap3A_88 : vector<16xf32> to vector<16xf32>
    %swap3A_90 = vector.shape_cast %select_n3A_86 : vector<16xf32> to vector<16xf32>
    tpu.vector_store %arg7[%swap3A_87], %swap3A_90 {strides = array<i32>} : memref<1024xf32, #tpu.memory_space<vmem>>, vector<16xf32>,
    %get3A_91 = arith.constant 96 : index
    %get3A_92 = tpu.vector_load %arg5[%get3A_91] {strides = array<i32>} : memref<1024xi32, #tpu.memory_space<vmem>>, vector<16xi32>,
    %get3A_93 = vector.shape_cast %get3A_92 : vector<16xi32> to vector<16xi32>
    %ne3A_94 = arith.constant 0 : i32
    %ne3A_95 = vector.broadcast %ne3A_94 : i32 to vector<16xi32>
    %ne3A_96 = arith.cmpi ne, %get3A_93, %ne3A_95 : vector<16xi32>
    %broadcast_in_dim3A_97 = vector.broadcast %squeeze3A_16 : f32 to vector<16xf32>
    %broadcast_in_dim3A_98 = vector.broadcast %squeeze3A : f32 to vector<16xf32>
    %select_n3A_99 = arith.select %ne3A_96, %broadcast_in_dim3A_97, %broadcast_in_dim3A_98 : vector<16xi1>, vector<16xf32>
    %swap3A_100 = arith.constant 96 : index
    %swap3A_101 = tpu.vector_load %arg7[%swap3A_100] {strides = array<i32>} : memref<1024xf32, #tpu.memory_space<vmem>>, vector<16xf32>,
    %swap3A_102 = vector.shape_cast %swap3A_101 : vector<16xf32> to vector<16xf32>
    %swap3A_103 = vector.shape_cast %select_n3A_99 : vector<16xf32> to vector<16xf32>
    tpu.vector_store %arg7[%swap3A_100], %swap3A_103 {strides = array<i32>} : memref<1024xf32, #tpu.memory_space<vmem>>, vector<16xf32>,
    %get3A_104 = arith.constant 112 : index
    %get3A_105 = tpu.vector_load %arg5[%get3A_104] {strides = array<i32>} : memref<1024xi32, #tpu.memory_space<vmem>>, vector<16xi32>,
    %get3A_106 = vector.shape_cast %get3A_105 : vector<16xi32> to vector<16xi32>
    %ne3A_107 = arith.constant 0 : i32
    %ne3A_108 = vector.broadcast %ne3A_107 : i32 to vector<16xi32>
    %ne3A_109 = arith.cmpi ne, %get3A_106, %ne3A_108 : vector<16xi32>
    %broadcast_in_dim3A_110 = vector.broadcast %squeeze3A_16 : f32 to vector<16xf32>
    %broadcast_in_dim3A_111 = vector.broadcast %squeeze3A : f32 to vector<16xf32>
    %select_n3A_112 = arith.select %ne3A_109, %broadcast_in_dim3A_110, %broadcast_in_dim3A_111 : vector<16xi1>, vector<16xf32>
    %swap3A_113 = arith.constant 112 : index
    %swap3A_114 = tpu.vector_load %arg7[%swap3A_113] {strides = array<i32>} : memref<1024xf32, #tpu.memory_space<vmem>>, vector<16xf32>,
    %swap3A_115 = vector.shape_cast %swap3A_114 : vector<16xf32> to vector<16xf32>
    %swap3A_116 = vector.shape_cast %select_n3A_112 : vector<16xf32> to vector<16xf32>
    tpu.vector_store %arg7[%swap3A_113], %swap3A_116 {strides = array<i32>} : memref<1024xf32, #tpu.memory_space<vmem>>, vector<16xf32>,
    %get3A_117 = arith.constant 128 : index
    %get3A_118 = tpu.vector_load %arg5[%get3A_117] {strides = array<i32>} : memref<1024xi32, #tpu.memory_space<vmem>>, vector<16xi32>,
    %get3A_119 = vector.shape_cast %get3A_118 : vector<16xi32> to vector<16xi32>
    %ne3A_120 = arith.constant 0 : i32
    %ne3A_121 = vector.broadcast %ne3A_120 : i32 to vector<16xi32>
    %ne3A_122 = arith.cmpi ne, %get3A_119, %ne3A_121 : vector<16xi32>
    %broadcast_in_dim3A_123 = vector.broadcast %squeeze3A_16 : f32 to vector<16xf32>
    %broadcast_in_dim3A_124 = vector.broadcast %squeeze3A : f32 to vector<16xf32>
    %select_n3A_125 = arith.select %ne3A_122, %broadcast_in_dim3A_123, %broadcast_in_dim3A_124 : vector<16xi1>, vector<16xf32>
    %swap3A_126 = arith.constant 128 : index
    %swap3A_127 = tpu.vector_load %arg7[%swap3A_126] {strides = array<i32>} : memref<1024xf32, #tpu.memory_space<vmem>>, vector<16xf32>,
    %swap3A_128 = vector.shape_cast %swap3A_127 : vector<16xf32> to vector<16xf32>
    %swap3A_129 = vector.shape_cast %select_n3A_125 : vector<16xf32> to vector<16xf32>
    tpu.vector_store %arg7[%swap3A_126], %swap3A_129 {strides = array<i32>} : memref<1024xf32, #tpu.memory_space<vmem>>, vector<16xf32>,
    %get3A_130 = arith.constant 144 : index
    %get3A_131 = tpu.vector_load %arg5[%get3A_130] {strides = array<i32>} : memref<1024xi32, #tpu.memory_space<vmem>>, vector<16xi32>,
    %get3A_132 = vector.shape_cast %get3A_131 : vector<16xi32> to vector<16xi32>
    %ne3A_133 = arith.constant 0 : i32
    %ne3A_134 = vector.broadcast %ne3A_133 : i32 to vector<16xi32>
    %ne3A_135 = arith.cmpi ne, %get3A_132, %ne3A_134 : vector<16xi32>
    %broadcast_in_dim3A_136 = vector.broadcast %squeeze3A_16 : f32 to vector<16xf32>
    %broadcast_in_dim3A_137 = vector.broadcast %squeeze3A : f32 to vector<16xf32>
    %select_n3A_138 = arith.select %ne3A_135, %broadcast_in_dim3A_136, %broadcast_in_dim3A_137 : vector<16xi1>, vector<16xf32>
    %swap3A_139 = arith.constant 144 : index
    %swap3A_140 = tpu.vector_load %arg7[%swap3A_139] {strides = array<i32>} : memref<1024xf32, #tpu.memory_space<vmem>>, vector<16xf32>,
    %swap3A_141 = vector.shape_cast %swap3A_140 : vector<16xf32> to vector<16xf32>
    %swap3A_142 = vector.shape_cast %select_n3A_138 : vector<16xf32> to vector<16xf32>
    tpu.vector_store %arg7[%swap3A_139], %swap3A_142 {strides = array<i32>} : memref<1024xf32, #tpu.memory_space<vmem>>, vector<16xf32>,
    %get3A_143 = arith.constant 160 : index
    %get3A_144 = tpu.vector_load %arg5[%get3A_143] {strides = array<i32>} : memref<1024xi32, #tpu.memory_space<vmem>>, vector<16xi32>,
    %get3A_145 = vector.shape_cast %get3A_144 : vector<16xi32> to vector<16xi32>
    %ne3A_146 = arith.constant 0 : i32
    %ne3A_147 = vector.broadcast %ne3A_146 : i32 to vector<16xi32>
    %ne3A_148 = arith.cmpi ne, %get3A_145, %ne3A_147 : vector<16xi32>
    %broadcast_in_dim3A_149 = vector.broadcast %squeeze3A_16 : f32 to vector<16xf32>
    %broadcast_in_dim3A_150 = vector.broadcast %squeeze3A : f32 to vector<16xf32>
    %select_n3A_151 = arith.select %ne3A_148, %broadcast_in_dim3A_149, %broadcast_in_dim3A_150 : vector<16xi1>, vector<16xf32>
    %swap3A_152 = arith.constant 160 : index
    %swap3A_153 = tpu.vector_load %arg7[%swap3A_152] {strides = array<i32>} : memref<1024xf32, #tpu.memory_space<vmem>>, vector<16xf32>,
    %swap3A_154 = vector.shape_cast %swap3A_153 : vector<16xf32> to vector<16xf32>
    %swap3A_155 = vector.shape_cast %select_n3A_151 : vector<16xf32> to vector<16xf32>
    tpu.vector_store %arg7[%swap3A_152], %swap3A_155 {strides = array<i32>} : memref<1024xf32, #tpu.memory_space<vmem>>, vector<16xf32>,
    %get3A_156 = arith.constant 176 : index
    %get3A_157 = tpu.vector_load %arg5[%get3A_156] {strides = array<i32>} : memref<1024xi32, #tpu.memory_space<vmem>>, vector<16xi32>,
    %get3A_158 = vector.shape_cast %get3A_157 : vector<16xi32> to vector<16xi32>
    %ne3A_159 = arith.constant 0 : i32
    %ne3A_160 = vector.broadcast %ne3A_159 : i32 to vector<16xi32>
    %ne3A_161 = arith.cmpi ne, %get3A_158, %ne3A_160 : vector<16xi32>
    %broadcast_in_dim3A_162 = vector.broadcast %squeeze3A_16 : f32 to vector<16xf32>
    %broadcast_in_dim3A_163 = vector.broadcast %squeeze3A : f32 to vector<16xf32>
    %select_n3A_164 = arith.select %ne3A_161, %broadcast_in_dim3A_162, %broadcast_in_dim3A_163 : vector<16xi1>, vector<16xf32>
    %swap3A_165 = arith.constant 176 : index
    %swap3A_166 = tpu.vector_load %arg7[%swap3A_165] {strides = array<i32>} : memref<1024xf32, #tpu.memory_space<vmem>>, vector<16xf32>,
    %swap3A_167 = vector.shape_cast %swap3A_166 : vector<16xf32> to vector<16xf32>
    %swap3A_168 = vector.shape_cast %select_n3A_164 : vector<16xf32> to vector<16xf32>
    tpu.vector_store %arg7[%swap3A_165], %swap3A_168 {strides = array<i32>} : memref<1024xf32, #tpu.memory_space<vmem>>, vector<16xf32>,
    %get3A_169 = arith.constant 192 : index
    %get3A_170 = tpu.vector_load %arg5[%get3A_169] {strides = array<i32>} : memref<1024xi32, #tpu.memory_space<vmem>>, vector<16xi32>,
    %get3A_171 = vector.shape_cast %get3A_170 : vector<16xi32> to vector<16xi32>
    %ne3A_172 = arith.constant 0 : i32
    %ne3A_173 = vector.broadcast %ne3A_172 : i32 to vector<16xi32>
    %ne3A_174 = arith.cmpi ne, %get3A_171, %ne3A_173 : vector<16xi32>
    %broadcast_in_dim3A_175 = vector.broadcast %squeeze3A_16 : f32 to vector<16xf32>
    %broadcast_in_dim3A_176 = vector.broadcast %squeeze3A : f32 to vector<16xf32>
    %select_n3A_177 = arith.select %ne3A_174, %broadcast_in_dim3A_175, %broadcast_in_dim3A_176 : vector<16xi1>, vector<16xf32>
    %swap3A_178 = arith.constant 192 : index
    %swap3A_179 = tpu.vector_load %arg7[%swap3A_178] {strides = array<i32>} : memref<1024xf32, #tpu.memory_space<vmem>>, vector<16xf32>,
    %swap3A_180 = vector.shape_cast %swap3A_179 : vector<16xf32> to vector<16xf32>
    %swap3A_181 = vector.shape_cast %select_n3A_177 : vector<16xf32> to vector<16xf32>
    tpu.vector_store %arg7[%swap3A_178], %swap3A_181 {strides = array<i32>} : memref<1024xf32, #tpu.memory_space<vmem>>, vector<16xf32>,
    %get3A_182 = arith.constant 208 : index
    %get3A_183 = tpu.vector_load %arg5[%get3A_182] {strides = array<i32>} : memref<1024xi32, #tpu.memory_space<vmem>>, vector<16xi32>,
    %get3A_184 = vector.shape_cast %get3A_183 : vector<16xi32> to vector<16xi32>
    %ne3A_185 = arith.constant 0 : i32
    %ne3A_186 = vector.broadcast %ne3A_185 : i32 to vector<16xi32>
    %ne3A_187 = arith.cmpi ne, %get3A_184, %ne3A_186 : vector<16xi32>
    %broadcast_in_dim3A_188 = vector.broadcast %squeeze3A_16 : f32 to vector<16xf32>
    %broadcast_in_dim3A_189 = vector.broadcast %squeeze3A : f32 to vector<16xf32>
    %select_n3A_190 = arith.select %ne3A_187, %broadcast_in_dim3A_188, %broadcast_in_dim3A_189 : vector<16xi1>, vector<16xf32>
    %swap3A_191 = arith.constant 208 : index
    %swap3A_192 = tpu.vector_load %arg7[%swap3A_191] {strides = array<i32>} : memref<1024xf32, #tpu.memory_space<vmem>>, vector<16xf32>,
    %swap3A_193 = vector.shape_cast %swap3A_192 : vector<16xf32> to vector<16xf32>
    %swap3A_194 = vector.shape_cast %select_n3A_190 : vector<16xf32> to vector<16xf32>
    tpu.vector_store %arg7[%swap3A_191], %swap3A_194 {strides = array<i32>} : memref<1024xf32, #tpu.memory_space<vmem>>, vector<16xf32>,
    %get3A_195 = arith.constant 224 : index
    %get3A_196 = tpu.vector_load %arg5[%get3A_195] {strides = array<i32>} : memref<1024xi32, #tpu.memory_space<vmem>>, vector<16xi32>,
    %get3A_197 = vector.shape_cast %get3A_196 : vector<16xi32> to vector<16xi32>
    %ne3A_198 = arith.constant 0 : i32
    %ne3A_199 = vector.broadcast %ne3A_198 : i32 to vector<16xi32>
    %ne3A_200 = arith.cmpi ne, %get3A_197, %ne3A_199 : vector<16xi32>
    %broadcast_in_dim3A_201 = vector.broadcast %squeeze3A_16 : f32 to vector<16xf32>
    %broadcast_in_dim3A_202 = vector.broadcast %squeeze3A : f32 to vector<16xf32>
    %select_n3A_203 = arith.select %ne3A_200, %broadcast_in_dim3A_201, %broadcast_in_dim3A_202 : vector<16xi1>, vector<16xf32>
    %swap3A_204 = arith.constant 224 : index
    %swap3A_205 = tpu.vector_load %arg7[%swap3A_204] {strides = array<i32>} : memref<1024xf32, #tpu.memory_space<vmem>>, vector<16xf32>,
    %swap3A_206 = vector.shape_cast %swap3A_205 : vector<16xf32> to vector<16xf32>
    %swap3A_207 = vector.shape_cast %select_n3A_203 : vector<16xf32> to vector<16xf32>
    tpu.vector_store %arg7[%swap3A_204], %swap3A_207 {strides = array<i32>} : memref<1024xf32, #tpu.memory_space<vmem>>, vector<16xf32>,
    %get3A_208 = arith.constant 240 : index
    %get3A_209 = tpu.vector_load %arg5[%get3A_208] {strides = array<i32>} : memref<1024xi32, #tpu.memory_space<vmem>>, vector<16xi32>,
    %get3A_210 = vector.shape_cast %get3A_209 : vector<16xi32> to vector<16xi32>
    %ne3A_211 = arith.constant 0 : i32
    %ne3A_212 = vector.broadcast %ne3A_211 : i32 to vector<16xi32>
    %ne3A_213 = arith.cmpi ne, %get3A_210, %ne3A_212 : vector<16xi32>
    %broadcast_in_dim3A_214 = vector.broadcast %squeeze3A_16 : f32 to vector<16xf32>
    %broadcast_in_dim3A_215 = vector.broadcast %squeeze3A : f32 to vector<16xf32>
    %select_n3A_216 = arith.select %ne3A_213, %broadcast_in_dim3A_214, %broadcast_in_dim3A_215 : vector<16xi1>, vector<16xf32>
    %swap3A_217 = arith.constant 240 : index
    %swap3A_218 = tpu.vector_load %arg7[%swap3A_217] {strides = array<i32>} : memref<1024xf32, #tpu.memory_space<vmem>>, vector<16xf32>,
    %swap3A_219 = vector.shape_cast %swap3A_218 : vector<16xf32> to vector<16xf32>
    %swap3A_220 = vector.shape_cast %select_n3A_216 : vector<16xf32> to vector<16xf32>
    tpu.vector_store %arg7[%swap3A_217], %swap3A_220 {strides = array<i32>} : memref<1024xf32, #tpu.memory_space<vmem>>, vector<16xf32>,
    %get3A_221 = arith.constant 256 : index
    %get3A_222 = tpu.vector_load %arg5[%get3A_221] {strides = array<i32>} : memref<1024xi32, #tpu.memory_space<vmem>>, vector<16xi32>,
    %get3A_223 = vector.shape_cast %get3A_222 : vector<16xi32> to vector<16xi32>
    %ne3A_224 = arith.constant 0 : i32
    %ne3A_225 = vector.broadcast %ne3A_224 : i32 to vector<16xi32>
    %ne3A_226 = arith.cmpi ne, %get3A_223, %ne3A_225 : vector<16xi32>
    %broadcast_in_dim3A_227 = vector.broadcast %squeeze3A_16 : f32 to vector<16xf32>
    %broadcast_in_dim3A_228 = vector.broadcast %squeeze3A : f32 to vector<16xf32>
    %select_n3A_229 = arith.select %ne3A_226, %broadcast_in_dim3A_227, %broadcast_in_dim3A_228 : vector<16xi1>, vector<16xf32>
    %swap3A_230 = arith.constant 256 : index
    %swap3A_231 = tpu.vector_load %arg7[%swap3A_230] {strides = array<i32>} : memref<1024xf32, #tpu.memory_space<vmem>>, vector<16xf32>,
    %swap3A_232 = vector.shape_cast %swap3A_231 : vector<16xf32> to vector<16xf32>
    %swap3A_233 = vector.shape_cast %select_n3A_229 : vector<16xf32> to vector<16xf32>
    tpu.vector_store %arg7[%swap3A_230], %swap3A_233 {strides = array<i32>} : memref<1024xf32, #tpu.memory_space<vmem>>, vector<16xf32>,
    %get3A_234 = arith.constant 272 : index
    %get3A_235 = tpu.vector_load %arg5[%get3A_234] {strides = array<i32>} : memref<1024xi32, #tpu.memory_space<vmem>>, vector<16xi32>,
    %get3A_236 = vector.shape_cast %get3A_235 : vector<16xi32> to vector<16xi32>
    %ne3A_237 = arith.constant 0 : i32
    %ne3A_238 = vector.broadcast %ne3A_237 : i32 to vector<16xi32>
    %ne3A_239 = arith.cmpi ne, %get3A_236, %ne3A_238 : vector<16xi32>
    %broadcast_in_dim3A_240 = vector.broadcast %squeeze3A_16 : f32 to vector<16xf32>
    %broadcast_in_dim3A_241 = vector.broadcast %squeeze3A : f32 to vector<16xf32>
    %select_n3A_242 = arith.select %ne3A_239, %broadcast_in_dim3A_240, %broadcast_in_dim3A_241 : vector<16xi1>, vector<16xf32>
    %swap3A_243 = arith.constant 272 : index
    %swap3A_244 = tpu.vector_load %arg7[%swap3A_243] {strides = array<i32>} : memref<1024xf32, #tpu.memory_space<vmem>>, vector<16xf32>,
    %swap3A_245 = vector.shape_cast %swap3A_244 : vector<16xf32> to vector<16xf32>
    %swap3A_246 = vector.shape_cast %select_n3A_242 : vector<16xf32> to vector<16xf32>
    tpu.vector_store %arg7[%swap3A_243], %swap3A_246 {strides = array<i32>} : memref<1024xf32, #tpu.memory_space<vmem>>, vector<16xf32>,
    %get3A_247 = arith.constant 288 : index
    %get3A_248 = tpu.vector_load %arg5[%get3A_247] {strides = array<i32>} : memref<1024xi32, #tpu.memory_space<vmem>>, vector<16xi32>,
    %get3A_249 = vector.shape_cast %get3A_248 : vector<16xi32> to vector<16xi32>
    %ne3A_250 = arith.constant 0 : i32
    %ne3A_251 = vector.broadcast %ne3A_250 : i32 to vector<16xi32>
    %ne3A_252 = arith.cmpi ne, %get3A_249, %ne3A_251 : vector<16xi32>
    %broadcast_in_dim3A_253 = vector.broadcast %squeeze3A_16 : f32 to vector<16xf32>
    %broadcast_in_dim3A_254 = vector.broadcast %squeeze3A : f32 to vector<16xf32>
    %select_n3A_255 = arith.select %ne3A_252, %broadcast_in_dim3A_253, %broadcast_in_dim3A_254 : vector<16xi1>, vector<16xf32>
    %swap3A_256 = arith.constant 288 : index
    %swap3A_257 = tpu.vector_load %arg7[%swap3A_256] {strides = array<i32>} : memref<1024xf32, #tpu.memory_space<vmem>>, vector<16xf32>,
    %swap3A_258 = vector.shape_cast %swap3A_257 : vector<16xf32> to vector<16xf32>
    %swap3A_259 = vector.shape_cast %select_n3A_255 : vector<16xf32> to vector<16xf32>
    tpu.vector_store %arg7[%swap3A_256], %swap3A_259 {strides = array<i32>} : memref<1024xf32, #tpu.memory_space<vmem>>, vector<16xf32>,
    %get3A_260 = arith.constant 304 : index
    %get3A_261 = tpu.vector_load %arg5[%get3A_260] {strides = array<i32>} : memref<1024xi32, #tpu.memory_space<vmem>>, vector<16xi32>,
    %get3A_262 = vector.shape_cast %get3A_261 : vector<16xi32> to vector<16xi32>
    %ne3A_263 = arith.constant 0 : i32
    %ne3A_264 = vector.broadcast %ne3A_263 : i32 to vector<16xi32>
    %ne3A_265 = arith.cmpi ne, %get3A_262, %ne3A_264 : vector<16xi32>
    %broadcast_in_dim3A_266 = vector.broadcast %squeeze3A_16 : f32 to vector<16xf32>
    %broadcast_in_dim3A_267 = vector.broadcast %squeeze3A : f32 to vector<16xf32>
    %select_n3A_268 = arith.select %ne3A_265, %broadcast_in_dim3A_266, %broadcast_in_dim3A_267 : vector<16xi1>, vector<16xf32>
    %swap3A_269 = arith.constant 304 : index
    %swap3A_270 = tpu.vector_load %arg7[%swap3A_269] {strides = array<i32>} : memref<1024xf32, #tpu.memory_space<vmem>>, vector<16xf32>,
    %swap3A_271 = vector.shape_cast %swap3A_270 : vector<16xf32> to vector<16xf32>
    %swap3A_272 = vector.shape_cast %select_n3A_268 : vector<16xf32> to vector<16xf32>
    tpu.vector_store %arg7[%swap3A_269], %swap3A_272 {strides = array<i32>} : memref<1024xf32, #tpu.memory_space<vmem>>, vector<16xf32>,
    %get3A_273 = arith.constant 320 : index
    %get3A_274 = tpu.vector_load %arg5[%get3A_273] {strides = array<i32>} : memref<1024xi32, #tpu.memory_space<vmem>>, vector<16xi32>,
    %get3A_275 = vector.shape_cast %get3A_274 : vector<16xi32> to vector<16xi32>
    %ne3A_276 = arith.constant 0 : i32
    %ne3A_277 = vector.broadcast %ne3A_276 : i32 to vector<16xi32>
    %ne3A_278 = arith.cmpi ne, %get3A_275, %ne3A_277 : vector<16xi32>
    %broadcast_in_dim3A_279 = vector.broadcast %squeeze3A_16 : f32 to vector<16xf32>
    %broadcast_in_dim3A_280 = vector.broadcast %squeeze3A : f32 to vector<16xf32>
    %select_n3A_281 = arith.select %ne3A_278, %broadcast_in_dim3A_279, %broadcast_in_dim3A_280 : vector<16xi1>, vector<16xf32>
    %swap3A_282 = arith.constant 320 : index
    %swap3A_283 = tpu.vector_load %arg7[%swap3A_282] {strides = array<i32>} : memref<1024xf32, #tpu.memory_space<vmem>>, vector<16xf32>,
    %swap3A_284 = vector.shape_cast %swap3A_283 : vector<16xf32> to vector<16xf32>
    %swap3A_285 = vector.shape_cast %select_n3A_281 : vector<16xf32> to vector<16xf32>
    tpu.vector_store %arg7[%swap3A_282], %swap3A_285 {strides = array<i32>} : memref<1024xf32, #tpu.memory_space<vmem>>, vector<16xf32>,
    %get3A_286 = arith.constant 336 : index
    %get3A_287 = tpu.vector_load %arg5[%get3A_286] {strides = array<i32>} : memref<1024xi32, #tpu.memory_space<vmem>>, vector<16xi32>,
    %get3A_288 = vector.shape_cast %get3A_287 : vector<16xi32> to vector<16xi32>
    %ne3A_289 = arith.constant 0 : i32
    %ne3A_290 = vector.broadcast %ne3A_289 : i32 to vector<16xi32>
    %ne3A_291 = arith.cmpi ne, %get3A_288, %ne3A_290 : vector<16xi32>
    %broadcast_in_dim3A_292 = vector.broadcast %squeeze3A_16 : f32 to vector<16xf32>
    %broadcast_in_dim3A_293 = vector.broadcast %squeeze3A : f32 to vector<16xf32>
    %select_n3A_294 = arith.select %ne3A_291, %broadcast_in_dim3A_292, %broadcast_in_dim3A_293 : vector<16xi1>, vector<16xf32>
    %swap3A_295 = arith.constant 336 : index
    %swap3A_296 = tpu.vector_load %arg7[%swap3A_295] {strides = array<i32>} : memref<1024xf32, #tpu.memory_space<vmem>>, vector<16xf32>,
    %swap3A_297 = vector.shape_cast %swap3A_296 : vector<16xf32> to vector<16xf32>
    %swap3A_298 = vector.shape_cast %select_n3A_294 : vector<16xf32> to vector<16xf32>
    tpu.vector_store %arg7[%swap3A_295], %swap3A_298 {strides = array<i32>} : memref<1024xf32, #tpu.memory_space<vmem>>, vector<16xf32>,
    %get3A_299 = arith.constant 352 : index
    %get3A_300 = tpu.vector_load %arg5[%get3A_299] {strides = array<i32>} : memref<1024xi32, #tpu.memory_space<vmem>>, vector<16xi32>,
    %get3A_301 = vector.shape_cast %get3A_300 : vector<16xi32> to vector<16xi32>
    %ne3A_302 = arith.constant 0 : i32
    %ne3A_303 = vector.broadcast %ne3A_302 : i32 to vector<16xi32>
    %ne3A_304 = arith.cmpi ne, %get3A_301, %ne3A_303 : vector<16xi32>
    %broadcast_in_dim3A_305 = vector.broadcast %squeeze3A_16 : f32 to vector<16xf32>
    %broadcast_in_dim3A_306 = vector.broadcast %squeeze3A : f32 to vector<16xf32>
    %select_n3A_307 = arith.select %ne3A_304, %broadcast_in_dim3A_305, %broadcast_in_dim3A_306 : vector<16xi1>, vector<16xf32>
    %swap3A_308 = arith.constant 352 : index
    %swap3A_309 = tpu.vector_load %arg7[%swap3A_308] {strides = array<i32>} : memref<1024xf32, #tpu.memory_space<vmem>>, vector<16xf32>,
    %swap3A_310 = vector.shape_cast %swap3A_309 : vector<16xf32> to vector<16xf32>
    %swap3A_311 = vector.shape_cast %select_n3A_307 : vector<16xf32> to vector<16xf32>
    tpu.vector_store %arg7[%swap3A_308], %swap3A_311 {strides = array<i32>} : memref<1024xf32, #tpu.memory_space<vmem>>, vector<16xf32>,
    %get3A_312 = arith.constant 368 : index
    %get3A_313 = tpu.vector_load %arg5[%get3A_312] {strides = array<i32>} : memref<1024xi32, #tpu.memory_space<vmem>>, vector<16xi32>,
    %get3A_314 = vector.shape_cast %get3A_313 : vector<16xi32> to vector<16xi32>
    %ne3A_315 = arith.constant 0 : i32
    %ne3A_316 = vector.broadcast %ne3A_315 : i32 to vector<16xi32>
    %ne3A_317 = arith.cmpi ne, %get3A_314, %ne3A_316 : vector<16xi32>
    %broadcast_in_dim3A_318 = vector.broadcast %squeeze3A_16 : f32 to vector<16xf32>
    %broadcast_in_dim3A_319 = vector.broadcast %squeeze3A : f32 to vector<16xf32>
    %select_n3A_320 = arith.select %ne3A_317, %broadcast_in_dim3A_318, %broadcast_in_dim3A_319 : vector<16xi1>, vector<16xf32>
    %swap3A_321 = arith.constant 368 : index
    %swap3A_322 = tpu.vector_load %arg7[%swap3A_321] {strides = array<i32>} : memref<1024xf32, #tpu.memory_space<vmem>>, vector<16xf32>,
    %swap3A_323 = vector.shape_cast %swap3A_322 : vector<16xf32> to vector<16xf32>
    %swap3A_324 = vector.shape_cast %select_n3A_320 : vector<16xf32> to vector<16xf32>
    tpu.vector_store %arg7[%swap3A_321], %swap3A_324 {strides = array<i32>} : memref<1024xf32, #tpu.memory_space<vmem>>, vector<16xf32>,
    %get3A_325 = arith.constant 384 : index
    %get3A_326 = tpu.vector_load %arg5[%get3A_325] {strides = array<i32>} : memref<1024xi32, #tpu.memory_space<vmem>>, vector<16xi32>,
    %get3A_327 = vector.shape_cast %get3A_326 : vector<16xi32> to vector<16xi32>
    %ne3A_328 = arith.constant 0 : i32
    %ne3A_329 = vector.broadcast %ne3A_328 : i32 to vector<16xi32>
    %ne3A_330 = arith.cmpi ne, %get3A_327, %ne3A_329 : vector<16xi32>
    %broadcast_in_dim3A_331 = vector.broadcast %squeeze3A_16 : f32 to vector<16xf32>
    %broadcast_in_dim3A_332 = vector.broadcast %squeeze3A : f32 to vector<16xf32>
    %select_n3A_333 = arith.select %ne3A_330, %broadcast_in_dim3A_331, %broadcast_in_dim3A_332 : vector<16xi1>, vector<16xf32>
    %swap3A_334 = arith.constant 384 : index
    %swap3A_335 = tpu.vector_load %arg7[%swap3A_334] {strides = array<i32>} : memref<1024xf32, #tpu.memory_space<vmem>>, vector<16xf32>,
    %swap3A_336 = vector.shape_cast %swap3A_335 : vector<16xf32> to vector<16xf32>
    %swap3A_337 = vector.shape_cast %select_n3A_333 : vector<16xf32> to vector<16xf32>
    tpu.vector_store %arg7[%swap3A_334], %swap3A_337 {strides = array<i32>} : memref<1024xf32, #tpu.memory_space<vmem>>, vector<16xf32>,
    %get3A_338 = arith.constant 400 : index
    %get3A_339 = tpu.vector_load %arg5[%get3A_338] {strides = array<i32>} : memref<1024xi32, #tpu.memory_space<vmem>>, vector<16xi32>,
    %get3A_340 = vector.shape_cast %get3A_339 : vector<16xi32> to vector<16xi32>
    %ne3A_341 = arith.constant 0 : i32
    %ne3A_342 = vector.broadcast %ne3A_341 : i32 to vector<16xi32>
    %ne3A_343 = arith.cmpi ne, %get3A_340, %ne3A_342 : vector<16xi32>
    %broadcast_in_dim3A_344 = vector.broadcast %squeeze3A_16 : f32 to vector<16xf32>
    %broadcast_in_dim3A_345 = vector.broadcast %squeeze3A : f32 to vector<16xf32>
    %select_n3A_346 = arith.select %ne3A_343, %broadcast_in_dim3A_344, %broadcast_in_dim3A_345 : vector<16xi1>, vector<16xf32>
    %swap3A_347 = arith.constant 400 : index
    %swap3A_348 = tpu.vector_load %arg7[%swap3A_347] {strides = array<i32>} : memref<1024xf32, #tpu.memory_space<vmem>>, vector<16xf32>,
    %swap3A_349 = vector.shape_cast %swap3A_348 : vector<16xf32> to vector<16xf32>
    %swap3A_350 = vector.shape_cast %select_n3A_346 : vector<16xf32> to vector<16xf32>
    tpu.vector_store %arg7[%swap3A_347], %swap3A_350 {strides = array<i32>} : memref<1024xf32, #tpu.memory_space<vmem>>, vector<16xf32>,
    %get3A_351 = arith.constant 416 : index
    %get3A_352 = tpu.vector_load %arg5[%get3A_351] {strides = array<i32>} : memref<1024xi32, #tpu.memory_space<vmem>>, vector<16xi32>,
    %get3A_353 = vector.shape_cast %get3A_352 : vector<16xi32> to vector<16xi32>
    %ne3A_354 = arith.constant 0 : i32
    %ne3A_355 = vector.broadcast %ne3A_354 : i32 to vector<16xi32>
    %ne3A_356 = arith.cmpi ne, %get3A_353, %ne3A_355 : vector<16xi32>
    %broadcast_in_dim3A_357 = vector.broadcast %squeeze3A_16 : f32 to vector<16xf32>
    %broadcast_in_dim3A_358 = vector.broadcast %squeeze3A : f32 to vector<16xf32>
    %select_n3A_359 = arith.select %ne3A_356, %broadcast_in_dim3A_357, %broadcast_in_dim3A_358 : vector<16xi1>, vector<16xf32>
    %swap3A_360 = arith.constant 416 : index
    %swap3A_361 = tpu.vector_load %arg7[%swap3A_360] {strides = array<i32>} : memref<1024xf32, #tpu.memory_space<vmem>>, vector<16xf32>,
    %swap3A_362 = vector.shape_cast %swap3A_361 : vector<16xf32> to vector<16xf32>
    %swap3A_363 = vector.shape_cast %select_n3A_359 : vector<16xf32> to vector<16xf32>
    tpu.vector_store %arg7[%swap3A_360], %swap3A_363 {strides = array<i32>} : memref<1024xf32, #tpu.memory_space<vmem>>, vector<16xf32>,
    %get3A_364 = arith.constant 432 : index
    %get3A_365 = tpu.vector_load %arg5[%get3A_364] {strides = array<i32>} : memref<1024xi32, #tpu.memory_space<vmem>>, vector<16xi32>,
    %get3A_366 = vector.shape_cast %get3A_365 : vector<16xi32> to vector<16xi32>
    %ne3A_367 = arith.constant 0 : i32
    %ne3A_368 = vector.broadcast %ne3A_367 : i32 to vector<16xi32>
    %ne3A_369 = arith.cmpi ne, %get3A_366, %ne3A_368 : vector<16xi32>
    %broadcast_in_dim3A_370 = vector.broadcast %squeeze3A_16 : f32 to vector<16xf32>
    %broadcast_in_dim3A_371 = vector.broadcast %squeeze3A : f32 to vector<16xf32>
    %select_n3A_372 = arith.select %ne3A_369, %broadcast_in_dim3A_370, %broadcast_in_dim3A_371 : vector<16xi1>, vector<16xf32>
    %swap3A_373 = arith.constant 432 : index
    %swap3A_374 = tpu.vector_load %arg7[%swap3A_373] {strides = array<i32>} : memref<1024xf32, #tpu.memory_space<vmem>>, vector<16xf32>,
    %swap3A_375 = vector.shape_cast %swap3A_374 : vector<16xf32> to vector<16xf32>
    %swap3A_376 = vector.shape_cast %select_n3A_372 : vector<16xf32> to vector<16xf32>
    tpu.vector_store %arg7[%swap3A_373], %swap3A_376 {strides = array<i32>} : memref<1024xf32, #tpu.memory_space<vmem>>, vector<16xf32>,
    %get3A_377 = arith.constant 448 : index
    %get3A_378 = tpu.vector_load %arg5[%get3A_377] {strides = array<i32>} : memref<1024xi32, #tpu.memory_space<vmem>>, vector<16xi32>,
    %get3A_379 = vector.shape_cast %get3A_378 : vector<16xi32> to vector<16xi32>
    %ne3A_380 = arith.constant 0 : i32
    %ne3A_381 = vector.broadcast %ne3A_380 : i32 to vector<16xi32>
    %ne3A_382 = arith.cmpi ne, %get3A_379, %ne3A_381 : vector<16xi32>
    %broadcast_in_dim3A_383 = vector.broadcast %squeeze3A_16 : f32 to vector<16xf32>
    %broadcast_in_dim3A_384 = vector.broadcast %squeeze3A : f32 to vector<16xf32>
    %select_n3A_385 = arith.select %ne3A_382, %broadcast_in_dim3A_383, %broadcast_in_dim3A_384 : vector<16xi1>, vector<16xf32>
    %swap3A_386 = arith.constant 448 : index
    %swap3A_387 = tpu.vector_load %arg7[%swap3A_386] {strides = array<i32>} : memref<1024xf32, #tpu.memory_space<vmem>>, vector<16xf32>,
    %swap3A_388 = vector.shape_cast %swap3A_387 : vector<16xf32> to vector<16xf32>
    %swap3A_389 = vector.shape_cast %select_n3A_385 : vector<16xf32> to vector<16xf32>
    tpu.vector_store %arg7[%swap3A_386], %swap3A_389 {strides = array<i32>} : memref<1024xf32, #tpu.memory_space<vmem>>, vector<16xf32>,
    %get3A_390 = arith.constant 464 : index
    %get3A_391 = tpu.vector_load %arg5[%get3A_390] {strides = array<i32>} : memref<1024xi32, #tpu.memory_space<vmem>>, vector<16xi32>,
    %get3A_392 = vector.shape_cast %get3A_391 : vector<16xi32> to vector<16xi32>
    %ne3A_393 = arith.constant 0 : i32
    %ne3A_394 = vector.broadcast %ne3A_393 : i32 to vector<16xi32>
    %ne3A_395 = arith.cmpi ne, %get3A_392, %ne3A_394 : vector<16xi32>
    %broadcast_in_dim3A_396 = vector.broadcast %squeeze3A_16 : f32 to vector<16xf32>
    %broadcast_in_dim3A_397 = vector.broadcast %squeeze3A : f32 to vector<16xf32>
    %select_n3A_398 = arith.select %ne3A_395, %broadcast_in_dim3A_396, %broadcast_in_dim3A_397 : vector<16xi1>, vector<16xf32>
    %swap3A_399 = arith.constant 464 : index
    %swap3A_400 = tpu.vector_load %arg7[%swap3A_399] {strides = array<i32>} : memref<1024xf32, #tpu.memory_space<vmem>>, vector<16xf32>,
    %swap3A_401 = vector.shape_cast %swap3A_400 : vector<16xf32> to vector<16xf32>
    %swap3A_402 = vector.shape_cast %select_n3A_398 : vector<16xf32> to vector<16xf32>
    tpu.vector_store %arg7[%swap3A_399], %swap3A_402 {strides = array<i32>} : memref<1024xf32, #tpu.memory_space<vmem>>, vector<16xf32>,
    %get3A_403 = arith.constant 480 : index
    %get3A_404 = tpu.vector_load %arg5[%get3A_403] {strides = array<i32>} : memref<1024xi32, #tpu.memory_space<vmem>>, vector<16xi32>,
    %get3A_405 = vector.shape_cast %get3A_404 : vector<16xi32> to vector<16xi32>
    %ne3A_406 = arith.constant 0 : i32
    %ne3A_407 = vector.broadcast %ne3A_406 : i32 to vector<16xi32>
    %ne3A_408 = arith.cmpi ne, %get3A_405, %ne3A_407 : vector<16xi32>
    %broadcast_in_dim3A_409 = vector.broadcast %squeeze3A_16 : f32 to vector<16xf32>
    %broadcast_in_dim3A_410 = vector.broadcast %squeeze3A : f32 to vector<16xf32>
    %select_n3A_411 = arith.select %ne3A_408, %broadcast_in_dim3A_409, %broadcast_in_dim3A_410 : vector<16xi1>, vector<16xf32>
    %swap3A_412 = arith.constant 480 : index
    %swap3A_413 = tpu.vector_load %arg7[%swap3A_412] {strides = array<i32>} : memref<1024xf32, #tpu.memory_space<vmem>>, vector<16xf32>,
    %swap3A_414 = vector.shape_cast %swap3A_413 : vector<16xf32> to vector<16xf32>
    %swap3A_415 = vector.shape_cast %select_n3A_411 : vector<16xf32> to vector<16xf32>
    tpu.vector_store %arg7[%swap3A_412], %swap3A_415 {strides = array<i32>} : memref<1024xf32, #tpu.memory_space<vmem>>, vector<16xf32>,
    %get3A_416 = arith.constant 496 : index
    %get3A_417 = tpu.vector_load %arg5[%get3A_416] {strides = array<i32>} : memref<1024xi32, #tpu.memory_space<vmem>>, vector<16xi32>,
    %get3A_418 = vector.shape_cast %get3A_417 : vector<16xi32> to vector<16xi32>
    %ne3A_419 = arith.constant 0 : i32
    %ne3A_420 = vector.broadcast %ne3A_419 : i32 to vector<16xi32>
    %ne3A_421 = arith.cmpi ne, %get3A_418, %ne3A_420 : vector<16xi32>
    %broadcast_in_dim3A_422 = vector.broadcast %squeeze3A_16 : f32 to vector<16xf32>
    %broadcast_in_dim3A_423 = vector.broadcast %squeeze3A : f32 to vector<16xf32>
    %select_n3A_424 = arith.select %ne3A_421, %broadcast_in_dim3A_422, %broadcast_in_dim3A_423 : vector<16xi1>, vector<16xf32>
    %swap3A_425 = arith.constant 496 : index
    %swap3A_426 = tpu.vector_load %arg7[%swap3A_425] {strides = array<i32>} : memref<1024xf32, #tpu.memory_space<vmem>>, vector<16xf32>,
    %swap3A_427 = vector.shape_cast %swap3A_426 : vector<16xf32> to vector<16xf32>
    %swap3A_428 = vector.shape_cast %select_n3A_424 : vector<16xf32> to vector<16xf32>
    tpu.vector_store %arg7[%swap3A_425], %swap3A_428 {strides = array<i32>} : memref<1024xf32, #tpu.memory_space<vmem>>, vector<16xf32>,
    %get3A_429 = arith.constant 512 : index
    %get3A_430 = tpu.vector_load %arg5[%get3A_429] {strides = array<i32>} : memref<1024xi32, #tpu.memory_space<vmem>>, vector<16xi32>,
    %get3A_431 = vector.shape_cast %get3A_430 : vector<16xi32> to vector<16xi32>
    %ne3A_432 = arith.constant 0 : i32
    %ne3A_433 = vector.broadcast %ne3A_432 : i32 to vector<16xi32>
    %ne3A_434 = arith.cmpi ne, %get3A_431, %ne3A_433 : vector<16xi32>
    %broadcast_in_dim3A_435 = vector.broadcast %squeeze3A_16 : f32 to vector<16xf32>
    %broadcast_in_dim3A_436 = vector.broadcast %squeeze3A : f32 to vector<16xf32>
    %select_n3A_437 = arith.select %ne3A_434, %broadcast_in_dim3A_435, %broadcast_in_dim3A_436 : vector<16xi1>, vector<16xf32>
    %swap3A_438 = arith.constant 512 : index
    %swap3A_439 = tpu.vector_load %arg7[%swap3A_438] {strides = array<i32>} : memref<1024xf32, #tpu.memory_space<vmem>>, vector<16xf32>,
    %swap3A_440 = vector.shape_cast %swap3A_439 : vector<16xf32> to vector<16xf32>
    %swap3A_441 = vector.shape_cast %select_n3A_437 : vector<16xf32> to vector<16xf32>
    tpu.vector_store %arg7[%swap3A_438], %swap3A_441 {strides = array<i32>} : memref<1024xf32, #tpu.memory_space<vmem>>, vector<16xf32>,
    %get3A_442 = arith.constant 528 : index
    %get3A_443 = tpu.vector_load %arg5[%get3A_442] {strides = array<i32>} : memref<1024xi32, #tpu.memory_space<vmem>>, vector<16xi32>,
    %get3A_444 = vector.shape_cast %get3A_443 : vector<16xi32> to vector<16xi32>
    %ne3A_445 = arith.constant 0 : i32
    %ne3A_446 = vector.broadcast %ne3A_445 : i32 to vector<16xi32>
    %ne3A_447 = arith.cmpi ne, %get3A_444, %ne3A_446 : vector<16xi32>
    %broadcast_in_dim3A_448 = vector.broadcast %squeeze3A_16 : f32 to vector<16xf32>
    %broadcast_in_dim3A_449 = vector.broadcast %squeeze3A : f32 to vector<16xf32>
    %select_n3A_450 = arith.select %ne3A_447, %broadcast_in_dim3A_448, %broadcast_in_dim3A_449 : vector<16xi1>, vector<16xf32>
    %swap3A_451 = arith.constant 528 : index
    %swap3A_452 = tpu.vector_load %arg7[%swap3A_451] {strides = array<i32>} : memref<1024xf32, #tpu.memory_space<vmem>>, vector<16xf32>,
    %swap3A_453 = vector.shape_cast %swap3A_452 : vector<16xf32> to vector<16xf32>
    %swap3A_454 = vector.shape_cast %select_n3A_450 : vector<16xf32> to vector<16xf32>
    tpu.vector_store %arg7[%swap3A_451], %swap3A_454 {strides = array<i32>} : memref<1024xf32, #tpu.memory_space<vmem>>, vector<16xf32>,
    %get3A_455 = arith.constant 544 : index
    %get3A_456 = tpu.vector_load %arg5[%get3A_455] {strides = array<i32>} : memref<1024xi32, #tpu.memory_space<vmem>>, vector<16xi32>,
    %get3A_457 = vector.shape_cast %get3A_456 : vector<16xi32> to vector<16xi32>
    %ne3A_458 = arith.constant 0 : i32
    %ne3A_459 = vector.broadcast %ne3A_458 : i32 to vector<16xi32>
    %ne3A_460 = arith.cmpi ne, %get3A_457, %ne3A_459 : vector<16xi32>
    %broadcast_in_dim3A_461 = vector.broadcast %squeeze3A_16 : f32 to vector<16xf32>
    %broadcast_in_dim3A_462 = vector.broadcast %squeeze3A : f32 to vector<16xf32>
    %select_n3A_463 = arith.select %ne3A_460, %broadcast_in_dim3A_461, %broadcast_in_dim3A_462 : vector<16xi1>, vector<16xf32>
    %swap3A_464 = arith.constant 544 : index
    %swap3A_465 = tpu.vector_load %arg7[%swap3A_464] {strides = array<i32>} : memref<1024xf32, #tpu.memory_space<vmem>>, vector<16xf32>,
    %swap3A_466 = vector.shape_cast %swap3A_465 : vector<16xf32> to vector<16xf32>
    %swap3A_467 = vector.shape_cast %select_n3A_463 : vector<16xf32> to vector<16xf32>
    tpu.vector_store %arg7[%swap3A_464], %swap3A_467 {strides = array<i32>} : memref<1024xf32, #tpu.memory_space<vmem>>, vector<16xf32>,
    %get3A_468 = arith.constant 560 : index
    %get3A_469 = tpu.vector_load %arg5[%get3A_468] {strides = array<i32>} : memref<1024xi32, #tpu.memory_space<vmem>>, vector<16xi32>,
    %get3A_470 = vector.shape_cast %get3A_469 : vector<16xi32> to vector<16xi32>
    %ne3A_471 = arith.constant 0 : i32
    %ne3A_472 = vector.broadcast %ne3A_471 : i32 to vector<16xi32>
    %ne3A_473 = arith.cmpi ne, %get3A_470, %ne3A_472 : vector<16xi32>
    %broadcast_in_dim3A_474 = vector.broadcast %squeeze3A_16 : f32 to vector<16xf32>
    %broadcast_in_dim3A_475 = vector.broadcast %squeeze3A : f32 to vector<16xf32>
    %select_n3A_476 = arith.select %ne3A_473, %broadcast_in_dim3A_474, %broadcast_in_dim3A_475 : vector<16xi1>, vector<16xf32>
    %swap3A_477 = arith.constant 560 : index
    %swap3A_478 = tpu.vector_load %arg7[%swap3A_477] {strides = array<i32>} : memref<1024xf32, #tpu.memory_space<vmem>>, vector<16xf32>,
    %swap3A_479 = vector.shape_cast %swap3A_478 : vector<16xf32> to vector<16xf32>
    %swap3A_480 = vector.shape_cast %select_n3A_476 : vector<16xf32> to vector<16xf32>
    tpu.vector_store %arg7[%swap3A_477], %swap3A_480 {strides = array<i32>} : memref<1024xf32, #tpu.memory_space<vmem>>, vector<16xf32>,
    %get3A_481 = arith.constant 576 : index
    %get3A_482 = tpu.vector_load %arg5[%get3A_481] {strides = array<i32>} : memref<1024xi32, #tpu.memory_space<vmem>>, vector<16xi32>,
    %get3A_483 = vector.shape_cast %get3A_482 : vector<16xi32> to vector<16xi32>
    %ne3A_484 = arith.constant 0 : i32
    %ne3A_485 = vector.broadcast %ne3A_484 : i32 to vector<16xi32>
    %ne3A_486 = arith.cmpi ne, %get3A_483, %ne3A_485 : vector<16xi32>
    %broadcast_in_dim3A_487 = vector.broadcast %squeeze3A_16 : f32 to vector<16xf32>
    %broadcast_in_dim3A_488 = vector.broadcast %squeeze3A : f32 to vector<16xf32>
    %select_n3A_489 = arith.select %ne3A_486, %broadcast_in_dim3A_487, %broadcast_in_dim3A_488 : vector<16xi1>, vector<16xf32>
    %swap3A_490 = arith.constant 576 : index
    %swap3A_491 = tpu.vector_load %arg7[%swap3A_490] {strides = array<i32>} : memref<1024xf32, #tpu.memory_space<vmem>>, vector<16xf32>,
    %swap3A_492 = vector.shape_cast %swap3A_491 : vector<16xf32> to vector<16xf32>
    %swap3A_493 = vector.shape_cast %select_n3A_489 : vector<16xf32> to vector<16xf32>
    tpu.vector_store %arg7[%swap3A_490], %swap3A_493 {strides = array<i32>} : memref<1024xf32, #tpu.memory_space<vmem>>, vector<16xf32>,
    %get3A_494 = arith.constant 592 : index
    %get3A_495 = tpu.vector_load %arg5[%get3A_494] {strides = array<i32>} : memref<1024xi32, #tpu.memory_space<vmem>>, vector<16xi32>,
    %get3A_496 = vector.shape_cast %get3A_495 : vector<16xi32> to vector<16xi32>
    %ne3A_497 = arith.constant 0 : i32
    %ne3A_498 = vector.broadcast %ne3A_497 : i32 to vector<16xi32>
    %ne3A_499 = arith.cmpi ne, %get3A_496, %ne3A_498 : vector<16xi32>
    %broadcast_in_dim3A_500 = vector.broadcast %squeeze3A_16 : f32 to vector<16xf32>
    %broadcast_in_dim3A_501 = vector.broadcast %squeeze3A : f32 to vector<16xf32>
    %select_n3A_502 = arith.select %ne3A_499, %broadcast_in_dim3A_500, %broadcast_in_dim3A_501 : vector<16xi1>, vector<16xf32>
    %swap3A_503 = arith.constant 592 : index
    %swap3A_504 = tpu.vector_load %arg7[%swap3A_503] {strides = array<i32>} : memref<1024xf32, #tpu.memory_space<vmem>>, vector<16xf32>,
    %swap3A_505 = vector.shape_cast %swap3A_504 : vector<16xf32> to vector<16xf32>
    %swap3A_506 = vector.shape_cast %select_n3A_502 : vector<16xf32> to vector<16xf32>
    tpu.vector_store %arg7[%swap3A_503], %swap3A_506 {strides = array<i32>} : memref<1024xf32, #tpu.memory_space<vmem>>, vector<16xf32>,
    %get3A_507 = arith.constant 608 : index
    %get3A_508 = tpu.vector_load %arg5[%get3A_507] {strides = array<i32>} : memref<1024xi32, #tpu.memory_space<vmem>>, vector<16xi32>,
    %get3A_509 = vector.shape_cast %get3A_508 : vector<16xi32> to vector<16xi32>
    %ne3A_510 = arith.constant 0 : i32
    %ne3A_511 = vector.broadcast %ne3A_510 : i32 to vector<16xi32>
    %ne3A_512 = arith.cmpi ne, %get3A_509, %ne3A_511 : vector<16xi32>
    %broadcast_in_dim3A_513 = vector.broadcast %squeeze3A_16 : f32 to vector<16xf32>
    %broadcast_in_dim3A_514 = vector.broadcast %squeeze3A : f32 to vector<16xf32>
    %select_n3A_515 = arith.select %ne3A_512, %broadcast_in_dim3A_513, %broadcast_in_dim3A_514 : vector<16xi1>, vector<16xf32>
    %swap3A_516 = arith.constant 608 : index
    %swap3A_517 = tpu.vector_load %arg7[%swap3A_516] {strides = array<i32>} : memref<1024xf32, #tpu.memory_space<vmem>>, vector<16xf32>,
    %swap3A_518 = vector.shape_cast %swap3A_517 : vector<16xf32> to vector<16xf32>
    %swap3A_519 = vector.shape_cast %select_n3A_515 : vector<16xf32> to vector<16xf32>
    tpu.vector_store %arg7[%swap3A_516], %swap3A_519 {strides = array<i32>} : memref<1024xf32, #tpu.memory_space<vmem>>, vector<16xf32>,
    %get3A_520 = arith.constant 624 : index
    %get3A_521 = tpu.vector_load %arg5[%get3A_520] {strides = array<i32>} : memref<1024xi32, #tpu.memory_space<vmem>>, vector<16xi32>,
    %get3A_522 = vector.shape_cast %get3A_521 : vector<16xi32> to vector<16xi32>
    %ne3A_523 = arith.constant 0 : i32
    %ne3A_524 = vector.broadcast %ne3A_523 : i32 to vector<16xi32>
    %ne3A_525 = arith.cmpi ne, %get3A_522, %ne3A_524 : vector<16xi32>
    %broadcast_in_dim3A_526 = vector.broadcast %squeeze3A_16 : f32 to vector<16xf32>
    %broadcast_in_dim3A_527 = vector.broadcast %squeeze3A : f32 to vector<16xf32>
    %select_n3A_528 = arith.select %ne3A_525, %broadcast_in_dim3A_526, %broadcast_in_dim3A_527 : vector<16xi1>, vector<16xf32>
    %swap3A_529 = arith.constant 624 : index
    %swap3A_530 = tpu.vector_load %arg7[%swap3A_529] {strides = array<i32>} : memref<1024xf32, #tpu.memory_space<vmem>>, vector<16xf32>,
    %swap3A_531 = vector.shape_cast %swap3A_530 : vector<16xf32> to vector<16xf32>
    %swap3A_532 = vector.shape_cast %select_n3A_528 : vector<16xf32> to vector<16xf32>
    tpu.vector_store %arg7[%swap3A_529], %swap3A_532 {strides = array<i32>} : memref<1024xf32, #tpu.memory_space<vmem>>, vector<16xf32>,
    %get3A_533 = arith.constant 640 : index
    %get3A_534 = tpu.vector_load %arg5[%get3A_533] {strides = array<i32>} : memref<1024xi32, #tpu.memory_space<vmem>>, vector<16xi32>,
    %get3A_535 = vector.shape_cast %get3A_534 : vector<16xi32> to vector<16xi32>
    %ne3A_536 = arith.constant 0 : i32
    %ne3A_537 = vector.broadcast %ne3A_536 : i32 to vector<16xi32>
    %ne3A_538 = arith.cmpi ne, %get3A_535, %ne3A_537 : vector<16xi32>
    %broadcast_in_dim3A_539 = vector.broadcast %squeeze3A_16 : f32 to vector<16xf32>
    %broadcast_in_dim3A_540 = vector.broadcast %squeeze3A : f32 to vector<16xf32>
    %select_n3A_541 = arith.select %ne3A_538, %broadcast_in_dim3A_539, %broadcast_in_dim3A_540 : vector<16xi1>, vector<16xf32>
    %swap3A_542 = arith.constant 640 : index
    %swap3A_543 = tpu.vector_load %arg7[%swap3A_542] {strides = array<i32>} : memref<1024xf32, #tpu.memory_space<vmem>>, vector<16xf32>,
    %swap3A_544 = vector.shape_cast %swap3A_543 : vector<16xf32> to vector<16xf32>
    %swap3A_545 = vector.shape_cast %select_n3A_541 : vector<16xf32> to vector<16xf32>
    tpu.vector_store %arg7[%swap3A_542], %swap3A_545 {strides = array<i32>} : memref<1024xf32, #tpu.memory_space<vmem>>, vector<16xf32>,
    %get3A_546 = arith.constant 656 : index
    %get3A_547 = tpu.vector_load %arg5[%get3A_546] {strides = array<i32>} : memref<1024xi32, #tpu.memory_space<vmem>>, vector<16xi32>,
    %get3A_548 = vector.shape_cast %get3A_547 : vector<16xi32> to vector<16xi32>
    %ne3A_549 = arith.constant 0 : i32
    %ne3A_550 = vector.broadcast %ne3A_549 : i32 to vector<16xi32>
    %ne3A_551 = arith.cmpi ne, %get3A_548, %ne3A_550 : vector<16xi32>
    %broadcast_in_dim3A_552 = vector.broadcast %squeeze3A_16 : f32 to vector<16xf32>
    %broadcast_in_dim3A_553 = vector.broadcast %squeeze3A : f32 to vector<16xf32>
    %select_n3A_554 = arith.select %ne3A_551, %broadcast_in_dim3A_552, %broadcast_in_dim3A_553 : vector<16xi1>, vector<16xf32>
    %swap3A_555 = arith.constant 656 : index
    %swap3A_556 = tpu.vector_load %arg7[%swap3A_555] {strides = array<i32>} : memref<1024xf32, #tpu.memory_space<vmem>>, vector<16xf32>,
    %swap3A_557 = vector.shape_cast %swap3A_556 : vector<16xf32> to vector<16xf32>
    %swap3A_558 = vector.shape_cast %select_n3A_554 : vector<16xf32> to vector<16xf32>
    tpu.vector_store %arg7[%swap3A_555], %swap3A_558 {strides = array<i32>} : memref<1024xf32, #tpu.memory_space<vmem>>, vector<16xf32>,
    %get3A_559 = arith.constant 672 : index
    %get3A_560 = tpu.vector_load %arg5[%get3A_559] {strides = array<i32>} : memref<1024xi32, #tpu.memory_space<vmem>>, vector<16xi32>,
    %get3A_561 = vector.shape_cast %get3A_560 : vector<16xi32> to vector<16xi32>
    %ne3A_562 = arith.constant 0 : i32
    %ne3A_563 = vector.broadcast %ne3A_562 : i32 to vector<16xi32>
    %ne3A_564 = arith.cmpi ne, %get3A_561, %ne3A_563 : vector<16xi32>
    %broadcast_in_dim3A_565 = vector.broadcast %squeeze3A_16 : f32 to vector<16xf32>
    %broadcast_in_dim3A_566 = vector.broadcast %squeeze3A : f32 to vector<16xf32>
    %select_n3A_567 = arith.select %ne3A_564, %broadcast_in_dim3A_565, %broadcast_in_dim3A_566 : vector<16xi1>, vector<16xf32>
    %swap3A_568 = arith.constant 672 : index
    %swap3A_569 = tpu.vector_load %arg7[%swap3A_568] {strides = array<i32>} : memref<1024xf32, #tpu.memory_space<vmem>>, vector<16xf32>,
    %swap3A_570 = vector.shape_cast %swap3A_569 : vector<16xf32> to vector<16xf32>
    %swap3A_571 = vector.shape_cast %select_n3A_567 : vector<16xf32> to vector<16xf32>
    tpu.vector_store %arg7[%swap3A_568], %swap3A_571 {strides = array<i32>} : memref<1024xf32, #tpu.memory_space<vmem>>, vector<16xf32>,
    %get3A_572 = arith.constant 688 : index
    %get3A_573 = tpu.vector_load %arg5[%get3A_572] {strides = array<i32>} : memref<1024xi32, #tpu.memory_space<vmem>>, vector<16xi32>,
    %get3A_574 = vector.shape_cast %get3A_573 : vector<16xi32> to vector<16xi32>
    %ne3A_575 = arith.constant 0 : i32
    %ne3A_576 = vector.broadcast %ne3A_575 : i32 to vector<16xi32>
    %ne3A_577 = arith.cmpi ne, %get3A_574, %ne3A_576 : vector<16xi32>
    %broadcast_in_dim3A_578 = vector.broadcast %squeeze3A_16 : f32 to vector<16xf32>
    %broadcast_in_dim3A_579 = vector.broadcast %squeeze3A : f32 to vector<16xf32>
    %select_n3A_580 = arith.select %ne3A_577, %broadcast_in_dim3A_578, %broadcast_in_dim3A_579 : vector<16xi1>, vector<16xf32>
    %swap3A_581 = arith.constant 688 : index
    %swap3A_582 = tpu.vector_load %arg7[%swap3A_581] {strides = array<i32>} : memref<1024xf32, #tpu.memory_space<vmem>>, vector<16xf32>,
    %swap3A_583 = vector.shape_cast %swap3A_582 : vector<16xf32> to vector<16xf32>
    %swap3A_584 = vector.shape_cast %select_n3A_580 : vector<16xf32> to vector<16xf32>
    tpu.vector_store %arg7[%swap3A_581], %swap3A_584 {strides = array<i32>} : memref<1024xf32, #tpu.memory_space<vmem>>, vector<16xf32>,
    %get3A_585 = arith.constant 704 : index
    %get3A_586 = tpu.vector_load %arg5[%get3A_585] {strides = array<i32>} : memref<1024xi32, #tpu.memory_space<vmem>>, vector<16xi32>,
    %get3A_587 = vector.shape_cast %get3A_586 : vector<16xi32> to vector<16xi32>
    %ne3A_588 = arith.constant 0 : i32
    %ne3A_589 = vector.broadcast %ne3A_588 : i32 to vector<16xi32>
    %ne3A_590 = arith.cmpi ne, %get3A_587, %ne3A_589 : vector<16xi32>
    %broadcast_in_dim3A_591 = vector.broadcast %squeeze3A_16 : f32 to vector<16xf32>
    %broadcast_in_dim3A_592 = vector.broadcast %squeeze3A : f32 to vector<16xf32>
    %select_n3A_593 = arith.select %ne3A_590, %broadcast_in_dim3A_591, %broadcast_in_dim3A_592 : vector<16xi1>, vector<16xf32>
    %swap3A_594 = arith.constant 704 : index
    %swap3A_595 = tpu.vector_load %arg7[%swap3A_594] {strides = array<i32>} : memref<1024xf32, #tpu.memory_space<vmem>>, vector<16xf32>,
    %swap3A_596 = vector.shape_cast %swap3A_595 : vector<16xf32> to vector<16xf32>
    %swap3A_597 = vector.shape_cast %select_n3A_593 : vector<16xf32> to vector<16xf32>
    tpu.vector_store %arg7[%swap3A_594], %swap3A_597 {strides = array<i32>} : memref<1024xf32, #tpu.memory_space<vmem>>, vector<16xf32>,
    %get3A_598 = arith.constant 720 : index
    %get3A_599 = tpu.vector_load %arg5[%get3A_598] {strides = array<i32>} : memref<1024xi32, #tpu.memory_space<vmem>>, vector<16xi32>,
    %get3A_600 = vector.shape_cast %get3A_599 : vector<16xi32> to vector<16xi32>
    %ne3A_601 = arith.constant 0 : i32
    %ne3A_602 = vector.broadcast %ne3A_601 : i32 to vector<16xi32>
    %ne3A_603 = arith.cmpi ne, %get3A_600, %ne3A_602 : vector<16xi32>
    %broadcast_in_dim3A_604 = vector.broadcast %squeeze3A_16 : f32 to vector<16xf32>
    %broadcast_in_dim3A_605 = vector.broadcast %squeeze3A : f32 to vector<16xf32>
    %select_n3A_606 = arith.select %ne3A_603, %broadcast_in_dim3A_604, %broadcast_in_dim3A_605 : vector<16xi1>, vector<16xf32>
    %swap3A_607 = arith.constant 720 : index
    %swap3A_608 = tpu.vector_load %arg7[%swap3A_607] {strides = array<i32>} : memref<1024xf32, #tpu.memory_space<vmem>>, vector<16xf32>,
    %swap3A_609 = vector.shape_cast %swap3A_608 : vector<16xf32> to vector<16xf32>
    %swap3A_610 = vector.shape_cast %select_n3A_606 : vector<16xf32> to vector<16xf32>
    tpu.vector_store %arg7[%swap3A_607], %swap3A_610 {strides = array<i32>} : memref<1024xf32, #tpu.memory_space<vmem>>, vector<16xf32>,
    %get3A_611 = arith.constant 736 : index
    %get3A_612 = tpu.vector_load %arg5[%get3A_611] {strides = array<i32>} : memref<1024xi32, #tpu.memory_space<vmem>>, vector<16xi32>,
    %get3A_613 = vector.shape_cast %get3A_612 : vector<16xi32> to vector<16xi32>
    %ne3A_614 = arith.constant 0 : i32
    %ne3A_615 = vector.broadcast %ne3A_614 : i32 to vector<16xi32>
    %ne3A_616 = arith.cmpi ne, %get3A_613, %ne3A_615 : vector<16xi32>
    %broadcast_in_dim3A_617 = vector.broadcast %squeeze3A_16 : f32 to vector<16xf32>
    %broadcast_in_dim3A_618 = vector.broadcast %squeeze3A : f32 to vector<16xf32>
    %select_n3A_619 = arith.select %ne3A_616, %broadcast_in_dim3A_617, %broadcast_in_dim3A_618 : vector<16xi1>, vector<16xf32>
    %swap3A_620 = arith.constant 736 : index
    %swap3A_621 = tpu.vector_load %arg7[%swap3A_620] {strides = array<i32>} : memref<1024xf32, #tpu.memory_space<vmem>>, vector<16xf32>,
    %swap3A_622 = vector.shape_cast %swap3A_621 : vector<16xf32> to vector<16xf32>
    %swap3A_623 = vector.shape_cast %select_n3A_619 : vector<16xf32> to vector<16xf32>
    tpu.vector_store %arg7[%swap3A_620], %swap3A_623 {strides = array<i32>} : memref<1024xf32, #tpu.memory_space<vmem>>, vector<16xf32>,
    %get3A_624 = arith.constant 752 : index
    %get3A_625 = tpu.vector_load %arg5[%get3A_624] {strides = array<i32>} : memref<1024xi32, #tpu.memory_space<vmem>>, vector<16xi32>,
    %get3A_626 = vector.shape_cast %get3A_625 : vector<16xi32> to vector<16xi32>
    %ne3A_627 = arith.constant 0 : i32
    %ne3A_628 = vector.broadcast %ne3A_627 : i32 to vector<16xi32>
    %ne3A_629 = arith.cmpi ne, %get3A_626, %ne3A_628 : vector<16xi32>
    %broadcast_in_dim3A_630 = vector.broadcast %squeeze3A_16 : f32 to vector<16xf32>
    %broadcast_in_dim3A_631 = vector.broadcast %squeeze3A : f32 to vector<16xf32>
    %select_n3A_632 = arith.select %ne3A_629, %broadcast_in_dim3A_630, %broadcast_in_dim3A_631 : vector<16xi1>, vector<16xf32>
    %swap3A_633 = arith.constant 752 : index
    %swap3A_634 = tpu.vector_load %arg7[%swap3A_633] {strides = array<i32>} : memref<1024xf32, #tpu.memory_space<vmem>>, vector<16xf32>,
    %swap3A_635 = vector.shape_cast %swap3A_634 : vector<16xf32> to vector<16xf32>
    %swap3A_636 = vector.shape_cast %select_n3A_632 : vector<16xf32> to vector<16xf32>
    tpu.vector_store %arg7[%swap3A_633], %swap3A_636 {strides = array<i32>} : memref<1024xf32, #tpu.memory_space<vmem>>, vector<16xf32>,
    %get3A_637 = arith.constant 768 : index
    %get3A_638 = tpu.vector_load %arg5[%get3A_637] {strides = array<i32>} : memref<1024xi32, #tpu.memory_space<vmem>>, vector<16xi32>,
    %get3A_639 = vector.shape_cast %get3A_638 : vector<16xi32> to vector<16xi32>
    %ne3A_640 = arith.constant 0 : i32
    %ne3A_641 = vector.broadcast %ne3A_640 : i32 to vector<16xi32>
    %ne3A_642 = arith.cmpi ne, %get3A_639, %ne3A_641 : vector<16xi32>
    %broadcast_in_dim3A_643 = vector.broadcast %squeeze3A_16 : f32 to vector<16xf32>
    %broadcast_in_dim3A_644 = vector.broadcast %squeeze3A : f32 to vector<16xf32>
    %select_n3A_645 = arith.select %ne3A_642, %broadcast_in_dim3A_643, %broadcast_in_dim3A_644 : vector<16xi1>, vector<16xf32>
    %swap3A_646 = arith.constant 768 : index
    %swap3A_647 = tpu.vector_load %arg7[%swap3A_646] {strides = array<i32>} : memref<1024xf32, #tpu.memory_space<vmem>>, vector<16xf32>,
    %swap3A_648 = vector.shape_cast %swap3A_647 : vector<16xf32> to vector<16xf32>
    %swap3A_649 = vector.shape_cast %select_n3A_645 : vector<16xf32> to vector<16xf32>
    tpu.vector_store %arg7[%swap3A_646], %swap3A_649 {strides = array<i32>} : memref<1024xf32, #tpu.memory_space<vmem>>, vector<16xf32>,
    %get3A_650 = arith.constant 784 : index
    %get3A_651 = tpu.vector_load %arg5[%get3A_650] {strides = array<i32>} : memref<1024xi32, #tpu.memory_space<vmem>>, vector<16xi32>,
    %get3A_652 = vector.shape_cast %get3A_651 : vector<16xi32> to vector<16xi32>
    %ne3A_653 = arith.constant 0 : i32
    %ne3A_654 = vector.broadcast %ne3A_653 : i32 to vector<16xi32>
    %ne3A_655 = arith.cmpi ne, %get3A_652, %ne3A_654 : vector<16xi32>
    %broadcast_in_dim3A_656 = vector.broadcast %squeeze3A_16 : f32 to vector<16xf32>
    %broadcast_in_dim3A_657 = vector.broadcast %squeeze3A : f32 to vector<16xf32>
    %select_n3A_658 = arith.select %ne3A_655, %broadcast_in_dim3A_656, %broadcast_in_dim3A_657 : vector<16xi1>, vector<16xf32>
    %swap3A_659 = arith.constant 784 : index
    %swap3A_660 = tpu.vector_load %arg7[%swap3A_659] {strides = array<i32>} : memref<1024xf32, #tpu.memory_space<vmem>>, vector<16xf32>,
    %swap3A_661 = vector.shape_cast %swap3A_660 : vector<16xf32> to vector<16xf32>
    %swap3A_662 = vector.shape_cast %select_n3A_658 : vector<16xf32> to vector<16xf32>
    tpu.vector_store %arg7[%swap3A_659], %swap3A_662 {strides = array<i32>} : memref<1024xf32, #tpu.memory_space<vmem>>, vector<16xf32>,
    %get3A_663 = arith.constant 800 : index
    %get3A_664 = tpu.vector_load %arg5[%get3A_663] {strides = array<i32>} : memref<1024xi32, #tpu.memory_space<vmem>>, vector<16xi32>,
    %get3A_665 = vector.shape_cast %get3A_664 : vector<16xi32> to vector<16xi32>
    %ne3A_666 = arith.constant 0 : i32
    %ne3A_667 = vector.broadcast %ne3A_666 : i32 to vector<16xi32>
    %ne3A_668 = arith.cmpi ne, %get3A_665, %ne3A_667 : vector<16xi32>
    %broadcast_in_dim3A_669 = vector.broadcast %squeeze3A_16 : f32 to vector<16xf32>
    %broadcast_in_dim3A_670 = vector.broadcast %squeeze3A : f32 to vector<16xf32>
    %select_n3A_671 = arith.select %ne3A_668, %broadcast_in_dim3A_669, %broadcast_in_dim3A_670 : vector<16xi1>, vector<16xf32>
    %swap3A_672 = arith.constant 800 : index
    %swap3A_673 = tpu.vector_load %arg7[%swap3A_672] {strides = array<i32>} : memref<1024xf32, #tpu.memory_space<vmem>>, vector<16xf32>,
    %swap3A_674 = vector.shape_cast %swap3A_673 : vector<16xf32> to vector<16xf32>
    %swap3A_675 = vector.shape_cast %select_n3A_671 : vector<16xf32> to vector<16xf32>
    tpu.vector_store %arg7[%swap3A_672], %swap3A_675 {strides = array<i32>} : memref<1024xf32, #tpu.memory_space<vmem>>, vector<16xf32>,
    %get3A_676 = arith.constant 816 : index
    %get3A_677 = tpu.vector_load %arg5[%get3A_676] {strides = array<i32>} : memref<1024xi32, #tpu.memory_space<vmem>>, vector<16xi32>,
    %get3A_678 = vector.shape_cast %get3A_677 : vector<16xi32> to vector<16xi32>
    %ne3A_679 = arith.constant 0 : i32
    %ne3A_680 = vector.broadcast %ne3A_679 : i32 to vector<16xi32>
    %ne3A_681 = arith.cmpi ne, %get3A_678, %ne3A_680 : vector<16xi32>
    %broadcast_in_dim3A_682 = vector.broadcast %squeeze3A_16 : f32 to vector<16xf32>
    %broadcast_in_dim3A_683 = vector.broadcast %squeeze3A : f32 to vector<16xf32>
    %select_n3A_684 = arith.select %ne3A_681, %broadcast_in_dim3A_682, %broadcast_in_dim3A_683 : vector<16xi1>, vector<16xf32>
    %swap3A_685 = arith.constant 816 : index
    %swap3A_686 = tpu.vector_load %arg7[%swap3A_685] {strides = array<i32>} : memref<1024xf32, #tpu.memory_space<vmem>>, vector<16xf32>,
    %swap3A_687 = vector.shape_cast %swap3A_686 : vector<16xf32> to vector<16xf32>
    %swap3A_688 = vector.shape_cast %select_n3A_684 : vector<16xf32> to vector<16xf32>
    tpu.vector_store %arg7[%swap3A_685], %swap3A_688 {strides = array<i32>} : memref<1024xf32, #tpu.memory_space<vmem>>, vector<16xf32>,
    %get3A_689 = arith.constant 832 : index
    %get3A_690 = tpu.vector_load %arg5[%get3A_689] {strides = array<i32>} : memref<1024xi32, #tpu.memory_space<vmem>>, vector<16xi32>,
    %get3A_691 = vector.shape_cast %get3A_690 : vector<16xi32> to vector<16xi32>
    %ne3A_692 = arith.constant 0 : i32
    %ne3A_693 = vector.broadcast %ne3A_692 : i32 to vector<16xi32>
    %ne3A_694 = arith.cmpi ne, %get3A_691, %ne3A_693 : vector<16xi32>
    %broadcast_in_dim3A_695 = vector.broadcast %squeeze3A_16 : f32 to vector<16xf32>
    %broadcast_in_dim3A_696 = vector.broadcast %squeeze3A : f32 to vector<16xf32>
    %select_n3A_697 = arith.select %ne3A_694, %broadcast_in_dim3A_695, %broadcast_in_dim3A_696 : vector<16xi1>, vector<16xf32>
    %swap3A_698 = arith.constant 832 : index
    %swap3A_699 = tpu.vector_load %arg7[%swap3A_698] {strides = array<i32>} : memref<1024xf32, #tpu.memory_space<vmem>>, vector<16xf32>,
    %swap3A_700 = vector.shape_cast %swap3A_699 : vector<16xf32> to vector<16xf32>
    %swap3A_701 = vector.shape_cast %select_n3A_697 : vector<16xf32> to vector<16xf32>
    tpu.vector_store %arg7[%swap3A_698], %swap3A_701 {strides = array<i32>} : memref<1024xf32, #tpu.memory_space<vmem>>, vector<16xf32>,
    %get3A_702 = arith.constant 848 : index
    %get3A_703 = tpu.vector_load %arg5[%get3A_702] {strides = array<i32>} : memref<1024xi32, #tpu.memory_space<vmem>>, vector<16xi32>,
    %get3A_704 = vector.shape_cast %get3A_703 : vector<16xi32> to vector<16xi32>
    %ne3A_705 = arith.constant 0 : i32
    %ne3A_706 = vector.broadcast %ne3A_705 : i32 to vector<16xi32>
    %ne3A_707 = arith.cmpi ne, %get3A_704, %ne3A_706 : vector<16xi32>
    %broadcast_in_dim3A_708 = vector.broadcast %squeeze3A_16 : f32 to vector<16xf32>
    %broadcast_in_dim3A_709 = vector.broadcast %squeeze3A : f32 to vector<16xf32>
    %select_n3A_710 = arith.select %ne3A_707, %broadcast_in_dim3A_708, %broadcast_in_dim3A_709 : vector<16xi1>, vector<16xf32>
    %swap3A_711 = arith.constant 848 : index
    %swap3A_712 = tpu.vector_load %arg7[%swap3A_711] {strides = array<i32>} : memref<1024xf32, #tpu.memory_space<vmem>>, vector<16xf32>,
    %swap3A_713 = vector.shape_cast %swap3A_712 : vector<16xf32> to vector<16xf32>
    %swap3A_714 = vector.shape_cast %select_n3A_710 : vector<16xf32> to vector<16xf32>
    tpu.vector_store %arg7[%swap3A_711], %swap3A_714 {strides = array<i32>} : memref<1024xf32, #tpu.memory_space<vmem>>, vector<16xf32>,
    %get3A_715 = arith.constant 864 : index
    %get3A_716 = tpu.vector_load %arg5[%get3A_715] {strides = array<i32>} : memref<1024xi32, #tpu.memory_space<vmem>>, vector<16xi32>,
    %get3A_717 = vector.shape_cast %get3A_716 : vector<16xi32> to vector<16xi32>
    %ne3A_718 = arith.constant 0 : i32
    %ne3A_719 = vector.broadcast %ne3A_718 : i32 to vector<16xi32>
    %ne3A_720 = arith.cmpi ne, %get3A_717, %ne3A_719 : vector<16xi32>
    %broadcast_in_dim3A_721 = vector.broadcast %squeeze3A_16 : f32 to vector<16xf32>
    %broadcast_in_dim3A_722 = vector.broadcast %squeeze3A : f32 to vector<16xf32>
    %select_n3A_723 = arith.select %ne3A_720, %broadcast_in_dim3A_721, %broadcast_in_dim3A_722 : vector<16xi1>, vector<16xf32>
    %swap3A_724 = arith.constant 864 : index
    %swap3A_725 = tpu.vector_load %arg7[%swap3A_724] {strides = array<i32>} : memref<1024xf32, #tpu.memory_space<vmem>>, vector<16xf32>,
    %swap3A_726 = vector.shape_cast %swap3A_725 : vector<16xf32> to vector<16xf32>
    %swap3A_727 = vector.shape_cast %select_n3A_723 : vector<16xf32> to vector<16xf32>
    tpu.vector_store %arg7[%swap3A_724], %swap3A_727 {strides = array<i32>} : memref<1024xf32, #tpu.memory_space<vmem>>, vector<16xf32>,
    %get3A_728 = arith.constant 880 : index
    %get3A_729 = tpu.vector_load %arg5[%get3A_728] {strides = array<i32>} : memref<1024xi32, #tpu.memory_space<vmem>>, vector<16xi32>,
    %get3A_730 = vector.shape_cast %get3A_729 : vector<16xi32> to vector<16xi32>
    %ne3A_731 = arith.constant 0 : i32
    %ne3A_732 = vector.broadcast %ne3A_731 : i32 to vector<16xi32>
    %ne3A_733 = arith.cmpi ne, %get3A_730, %ne3A_732 : vector<16xi32>
    %broadcast_in_dim3A_734 = vector.broadcast %squeeze3A_16 : f32 to vector<16xf32>
    %broadcast_in_dim3A_735 = vector.broadcast %squeeze3A : f32 to vector<16xf32>
    %select_n3A_736 = arith.select %ne3A_733, %broadcast_in_dim3A_734, %broadcast_in_dim3A_735 : vector<16xi1>, vector<16xf32>
    %swap3A_737 = arith.constant 880 : index
    %swap3A_738 = tpu.vector_load %arg7[%swap3A_737] {strides = array<i32>} : memref<1024xf32, #tpu.memory_space<vmem>>, vector<16xf32>,
    %swap3A_739 = vector.shape_cast %swap3A_738 : vector<16xf32> to vector<16xf32>
    %swap3A_740 = vector.shape_cast %select_n3A_736 : vector<16xf32> to vector<16xf32>
    tpu.vector_store %arg7[%swap3A_737], %swap3A_740 {strides = array<i32>} : memref<1024xf32, #tpu.memory_space<vmem>>, vector<16xf32>,
    %get3A_741 = arith.constant 896 : index
    %get3A_742 = tpu.vector_load %arg5[%get3A_741] {strides = array<i32>} : memref<1024xi32, #tpu.memory_space<vmem>>, vector<16xi32>,
    %get3A_743 = vector.shape_cast %get3A_742 : vector<16xi32> to vector<16xi32>
    %ne3A_744 = arith.constant 0 : i32
    %ne3A_745 = vector.broadcast %ne3A_744 : i32 to vector<16xi32>
    %ne3A_746 = arith.cmpi ne, %get3A_743, %ne3A_745 : vector<16xi32>
    %broadcast_in_dim3A_747 = vector.broadcast %squeeze3A_16 : f32 to vector<16xf32>
    %broadcast_in_dim3A_748 = vector.broadcast %squeeze3A : f32 to vector<16xf32>
    %select_n3A_749 = arith.select %ne3A_746, %broadcast_in_dim3A_747, %broadcast_in_dim3A_748 : vector<16xi1>, vector<16xf32>
    %swap3A_750 = arith.constant 896 : index
    %swap3A_751 = tpu.vector_load %arg7[%swap3A_750] {strides = array<i32>} : memref<1024xf32, #tpu.memory_space<vmem>>, vector<16xf32>,
    %swap3A_752 = vector.shape_cast %swap3A_751 : vector<16xf32> to vector<16xf32>
    %swap3A_753 = vector.shape_cast %select_n3A_749 : vector<16xf32> to vector<16xf32>
    tpu.vector_store %arg7[%swap3A_750], %swap3A_753 {strides = array<i32>} : memref<1024xf32, #tpu.memory_space<vmem>>, vector<16xf32>,
    %get3A_754 = arith.constant 912 : index
    %get3A_755 = tpu.vector_load %arg5[%get3A_754] {strides = array<i32>} : memref<1024xi32, #tpu.memory_space<vmem>>, vector<16xi32>,
    %get3A_756 = vector.shape_cast %get3A_755 : vector<16xi32> to vector<16xi32>
    %ne3A_757 = arith.constant 0 : i32
    %ne3A_758 = vector.broadcast %ne3A_757 : i32 to vector<16xi32>
    %ne3A_759 = arith.cmpi ne, %get3A_756, %ne3A_758 : vector<16xi32>
    %broadcast_in_dim3A_760 = vector.broadcast %squeeze3A_16 : f32 to vector<16xf32>
    %broadcast_in_dim3A_761 = vector.broadcast %squeeze3A : f32 to vector<16xf32>
    %select_n3A_762 = arith.select %ne3A_759, %broadcast_in_dim3A_760, %broadcast_in_dim3A_761 : vector<16xi1>, vector<16xf32>
    %swap3A_763 = arith.constant 912 : index
    %swap3A_764 = tpu.vector_load %arg7[%swap3A_763] {strides = array<i32>} : memref<1024xf32, #tpu.memory_space<vmem>>, vector<16xf32>,
    %swap3A_765 = vector.shape_cast %swap3A_764 : vector<16xf32> to vector<16xf32>
    %swap3A_766 = vector.shape_cast %select_n3A_762 : vector<16xf32> to vector<16xf32>
    tpu.vector_store %arg7[%swap3A_763], %swap3A_766 {strides = array<i32>} : memref<1024xf32, #tpu.memory_space<vmem>>, vector<16xf32>,
    %get3A_767 = arith.constant 928 : index
    %get3A_768 = tpu.vector_load %arg5[%get3A_767] {strides = array<i32>} : memref<1024xi32, #tpu.memory_space<vmem>>, vector<16xi32>,
    %get3A_769 = vector.shape_cast %get3A_768 : vector<16xi32> to vector<16xi32>
    %ne3A_770 = arith.constant 0 : i32
    %ne3A_771 = vector.broadcast %ne3A_770 : i32 to vector<16xi32>
    %ne3A_772 = arith.cmpi ne, %get3A_769, %ne3A_771 : vector<16xi32>
    %broadcast_in_dim3A_773 = vector.broadcast %squeeze3A_16 : f32 to vector<16xf32>
    %broadcast_in_dim3A_774 = vector.broadcast %squeeze3A : f32 to vector<16xf32>
    %select_n3A_775 = arith.select %ne3A_772, %broadcast_in_dim3A_773, %broadcast_in_dim3A_774 : vector<16xi1>, vector<16xf32>
    %swap3A_776 = arith.constant 928 : index
    %swap3A_777 = tpu.vector_load %arg7[%swap3A_776] {strides = array<i32>} : memref<1024xf32, #tpu.memory_space<vmem>>, vector<16xf32>,
    %swap3A_778 = vector.shape_cast %swap3A_777 : vector<16xf32> to vector<16xf32>
    %swap3A_779 = vector.shape_cast %select_n3A_775 : vector<16xf32> to vector<16xf32>
    tpu.vector_store %arg7[%swap3A_776], %swap3A_779 {strides = array<i32>} : memref<1024xf32, #tpu.memory_space<vmem>>, vector<16xf32>,
    %get3A_780 = arith.constant 944 : index
    %get3A_781 = tpu.vector_load %arg5[%get3A_780] {strides = array<i32>} : memref<1024xi32, #tpu.memory_space<vmem>>, vector<16xi32>,
    %get3A_782 = vector.shape_cast %get3A_781 : vector<16xi32> to vector<16xi32>
    %ne3A_783 = arith.constant 0 : i32
    %ne3A_784 = vector.broadcast %ne3A_783 : i32 to vector<16xi32>
    %ne3A_785 = arith.cmpi ne, %get3A_782, %ne3A_784 : vector<16xi32>
    %broadcast_in_dim3A_786 = vector.broadcast %squeeze3A_16 : f32 to vector<16xf32>
    %broadcast_in_dim3A_787 = vector.broadcast %squeeze3A : f32 to vector<16xf32>
    %select_n3A_788 = arith.select %ne3A_785, %broadcast_in_dim3A_786, %broadcast_in_dim3A_787 : vector<16xi1>, vector<16xf32>
    %swap3A_789 = arith.constant 944 : index
    %swap3A_790 = tpu.vector_load %arg7[%swap3A_789] {strides = array<i32>} : memref<1024xf32, #tpu.memory_space<vmem>>, vector<16xf32>,
    %swap3A_791 = vector.shape_cast %swap3A_790 : vector<16xf32> to vector<16xf32>
    %swap3A_792 = vector.shape_cast %select_n3A_788 : vector<16xf32> to vector<16xf32>
    tpu.vector_store %arg7[%swap3A_789], %swap3A_792 {strides = array<i32>} : memref<1024xf32, #tpu.memory_space<vmem>>, vector<16xf32>,
    %get3A_793 = arith.constant 960 : index
    %get3A_794 = tpu.vector_load %arg5[%get3A_793] {strides = array<i32>} : memref<1024xi32, #tpu.memory_space<vmem>>, vector<16xi32>,
    %get3A_795 = vector.shape_cast %get3A_794 : vector<16xi32> to vector<16xi32>
    %ne3A_796 = arith.constant 0 : i32
    %ne3A_797 = vector.broadcast %ne3A_796 : i32 to vector<16xi32>
    %ne3A_798 = arith.cmpi ne, %get3A_795, %ne3A_797 : vector<16xi32>
    %broadcast_in_dim3A_799 = vector.broadcast %squeeze3A_16 : f32 to vector<16xf32>
    %broadcast_in_dim3A_800 = vector.broadcast %squeeze3A : f32 to vector<16xf32>
    %select_n3A_801 = arith.select %ne3A_798, %broadcast_in_dim3A_799, %broadcast_in_dim3A_800 : vector<16xi1>, vector<16xf32>
    %swap3A_802 = arith.constant 960 : index
    %swap3A_803 = tpu.vector_load %arg7[%swap3A_802] {strides = array<i32>} : memref<1024xf32, #tpu.memory_space<vmem>>, vector<16xf32>,
    %swap3A_804 = vector.shape_cast %swap3A_803 : vector<16xf32> to vector<16xf32>
    %swap3A_805 = vector.shape_cast %select_n3A_801 : vector<16xf32> to vector<16xf32>
    tpu.vector_store %arg7[%swap3A_802], %swap3A_805 {strides = array<i32>} : memref<1024xf32, #tpu.memory_space<vmem>>, vector<16xf32>,
    %get3A_806 = arith.constant 976 : index
    %get3A_807 = tpu.vector_load %arg5[%get3A_806] {strides = array<i32>} : memref<1024xi32, #tpu.memory_space<vmem>>, vector<16xi32>,
    %get3A_808 = vector.shape_cast %get3A_807 : vector<16xi32> to vector<16xi32>
    %ne3A_809 = arith.constant 0 : i32
    %ne3A_810 = vector.broadcast %ne3A_809 : i32 to vector<16xi32>
    %ne3A_811 = arith.cmpi ne, %get3A_808, %ne3A_810 : vector<16xi32>
    %broadcast_in_dim3A_812 = vector.broadcast %squeeze3A_16 : f32 to vector<16xf32>
    %broadcast_in_dim3A_813 = vector.broadcast %squeeze3A : f32 to vector<16xf32>
    %select_n3A_814 = arith.select %ne3A_811, %broadcast_in_dim3A_812, %broadcast_in_dim3A_813 : vector<16xi1>, vector<16xf32>
    %swap3A_815 = arith.constant 976 : index
    %swap3A_816 = tpu.vector_load %arg7[%swap3A_815] {strides = array<i32>} : memref<1024xf32, #tpu.memory_space<vmem>>, vector<16xf32>,
    %swap3A_817 = vector.shape_cast %swap3A_816 : vector<16xf32> to vector<16xf32>
    %swap3A_818 = vector.shape_cast %select_n3A_814 : vector<16xf32> to vector<16xf32>
    tpu.vector_store %arg7[%swap3A_815], %swap3A_818 {strides = array<i32>} : memref<1024xf32, #tpu.memory_space<vmem>>, vector<16xf32>,
    %get3A_819 = arith.constant 992 : index
    %get3A_820 = tpu.vector_load %arg5[%get3A_819] {strides = array<i32>} : memref<1024xi32, #tpu.memory_space<vmem>>, vector<16xi32>,
    %get3A_821 = vector.shape_cast %get3A_820 : vector<16xi32> to vector<16xi32>
    %ne3A_822 = arith.constant 0 : i32
    %ne3A_823 = vector.broadcast %ne3A_822 : i32 to vector<16xi32>
    %ne3A_824 = arith.cmpi ne, %get3A_821, %ne3A_823 : vector<16xi32>
    %broadcast_in_dim3A_825 = vector.broadcast %squeeze3A_16 : f32 to vector<16xf32>
    %broadcast_in_dim3A_826 = vector.broadcast %squeeze3A : f32 to vector<16xf32>
    %select_n3A_827 = arith.select %ne3A_824, %broadcast_in_dim3A_825, %broadcast_in_dim3A_826 : vector<16xi1>, vector<16xf32>
    %swap3A_828 = arith.constant 992 : index
    %swap3A_829 = tpu.vector_load %arg7[%swap3A_828] {strides = array<i32>} : memref<1024xf32, #tpu.memory_space<vmem>>, vector<16xf32>,
    %swap3A_830 = vector.shape_cast %swap3A_829 : vector<16xf32> to vector<16xf32>
    %swap3A_831 = vector.shape_cast %select_n3A_827 : vector<16xf32> to vector<16xf32>
    tpu.vector_store %arg7[%swap3A_828], %swap3A_831 {strides = array<i32>} : memref<1024xf32, #tpu.memory_space<vmem>>, vector<16xf32>,
    %get3A_832 = arith.constant 1008 : index
    %get3A_833 = tpu.vector_load %arg5[%get3A_832] {strides = array<i32>} : memref<1024xi32, #tpu.memory_space<vmem>>, vector<16xi32>,
    %get3A_834 = vector.shape_cast %get3A_833 : vector<16xi32> to vector<16xi32>
    %ne3A_835 = arith.constant 0 : i32
    %ne3A_836 = vector.broadcast %ne3A_835 : i32 to vector<16xi32>
    %ne3A_837 = arith.cmpi ne, %get3A_834, %ne3A_836 : vector<16xi32>
    %broadcast_in_dim3A_838 = vector.broadcast %squeeze3A_16 : f32 to vector<16xf32>
    %broadcast_in_dim3A_839 = vector.broadcast %squeeze3A : f32 to vector<16xf32>
    %select_n3A_840 = arith.select %ne3A_837, %broadcast_in_dim3A_838, %broadcast_in_dim3A_839 : vector<16xi1>, vector<16xf32>
    %swap3A_841 = arith.constant 1008 : index
    %swap3A_842 = tpu.vector_load %arg7[%swap3A_841] {strides = array<i32>} : memref<1024xf32, #tpu.memory_space<vmem>>, vector<16xf32>,
    %swap3A_843 = vector.shape_cast %swap3A_842 : vector<16xf32> to vector<16xf32>
    %swap3A_844 = vector.shape_cast %select_n3A_840 : vector<16xf32> to vector<16xf32>
    tpu.vector_store %arg7[%swap3A_841], %swap3A_844 {strides = array<i32>} : memref<1024xf32, #tpu.memory_space<vmem>>, vector<16xf32>,
    "tpu.region"() ({
      %run_scoped3A = tpu.sem_alloc : memref<!tpu.dma_semaphore, #tpu.memory_space<semaphore_mem>>
      %dma_start3A_845 = tpu.memref_slice %arg4[%mul3A_2] : memref<16384xf32, #tpu.memory_space<hbm>> -> memref<1024xf32, #tpu.memory_space<hbm>>
      %dma_start3A_846 = tpu.memref_slice %arg4[%mul3A_2] : memref<16384xf32, #tpu.memory_space<hbm>> -> memref<1024xf32, #tpu.memory_space<hbm>>
      tpu.enqueue_dma source(%arg7 : memref<1024xf32, #tpu.memory_space<vmem>>) target(%dma_start3A_846 : memref<1024xf32, #tpu.memory_space<hbm>>) target_semaphore(%run_scoped3A : memref<!tpu.dma_semaphore, #tpu.memory_space<semaphore_mem>>)
      %dma_wait3A_847 = tpu.memref_slice %arg4[%mul3A_2] : memref<16384xf32, #tpu.memory_space<hbm>> -> memref<1024xf32, #tpu.memory_space<hbm>>
      %dma_wait3A_848 = tpu.memref_slice %arg4[%mul3A_2] : memref<16384xf32, #tpu.memory_space<hbm>> -> memref<1024xf32, #tpu.memory_space<hbm>>
      tpu.wait_dma2 semaphore(%run_scoped3A : memref<!tpu.dma_semaphore, #tpu.memory_space<semaphore_mem>>) src(%arg7 : memref<1024xf32, #tpu.memory_space<vmem>>) dst(%dma_wait3A_848 : memref<1024xf32, #tpu.memory_space<hbm>>)
      tpu.yield
    }) : () -> ()
    return
  }
}

</mosaic_0001>

<sc_bundles>
// kernel: kernel.3.cloned.1.call-start
scs
__scs_entry_jumppad:
0x0: {  	(pc) =	sbr.rel $0x88, $3  }
0x1: {  	(tag) =	ssettag $0x0;
	lr =	simm.s32 $0x1  }
0x2: {  	[smem:$0x3F9F] =	sst lr;
	_ =	strace $0xD0000000  }
0x3: {  	_ = 	snop  }
0x4: {  	_ = 	snop  }
0x5: {  	_ = 	snop  }
0x6: {  	_ = 	snop  }
0x7: {  	_ = 	snop  }
__scs_overlays_trampoline_lowered:
0x8: {  	[smem:$0x3FAE] =	sst s0  }
0x9: {  	[smem:$0x3FAF] =	sst s1  }
0xa: {  	[smem:$0x3FB0] =	sst s2  }
0xb: {  	[smem:$0x3FB1] =	sst s3  }
0xc: {  	[smem:$0x3FB2] =	sst s4  }
0xd: {  	[smem:$0x3FB3] =	sst s5  }
0xe: {  	[smem:$0x3FB4] =	sst s6  }
0xf: {  	[smem:$0x3FB5] =	sst s7  }
0x10: {  	[smem:$0x3FB6] =	sst s8  }
0x11: {  	[smem:$0x3FB7] =	sst s9;
	s0 =	simm.s32 @!p0 $0x0  }
0x12: {  	s1 =	sld [smem:$0x3F9D];
	s0 =	simm.s32 @p0 $0x1  }
0x13: {  	[smem:$0x3FB8] =	sst s0;
	s0 =	simm.s32 @!p1 $0x0  }
0x14: {  	s2 =	sld [smem:$0x3F9C];
	s0 =	simm.s32 @p1 $0x1  }
0x15: {  	[smem:$0x3FB9] =	sst s0;
	s0 =	simm.s32 @!p2 $0x0  }
0x16: {  	s3 =	sld [smem:$0x3FDB];
	s0 =	simm.s32 @p2 $0x1  }
0x17: {  	s4 =	simm.s32 $0x1BF5;
	[smem:$0x3FBB] =	sst s0  }
0x18: {  	s0 =	sld [smem:$0x3F9E];
	_ =	swait.ge [sflag:s4], $0x0  }
0x19: {  	s7 =	sld [smem:$0x3F9F]  }
0x1a: {  	s8 =	sadd.s32 $0xFFFFE003, lr  }
0x1b: {  	s9 =	sadd.s32 $0xFFFFFEF7, lr;
	s5 =	simm.s32 $0xFFFFFFFF;
	p2 =	slt.u32 s8, $0xFFFFF086  }
0x1c: {  	p1 =	slt.u32 s9, $0xF7A;
	s5 =	simm.s32 @!p2 $0x0  }
0x1d: {  	s5 =	simm.s32 @p1 $0x1;
	p0 =	seq.s32 s7, s2  }
0x1e: {  	s7 =	smul.u32 @!p0 $0xF7A, s2;
	p2 =	seq.s32 @!p0 s5, $0x0  }
0x1f: {  	s9 =	smul.u32 $0xF7A, s1;
	s8 =	simm.s32 @!p0 $0x1BF5;
	p2 =	por !p2, p0  }
0x20: {  	[sflag:s8] =	ssyncset.s32 @!p0 $0xFFFFF086;
	s6 =	sadd.s32 @!p0 s3, s7;
	s7 =	simm.s32 @!p0 $0x108  }
0x21: {  	s3 =	sadd.s32 s3, s9;
	s6 =	sadd.s32 @!p0 $0x88, s6;
	s7 =	simm.s32 @p2 $0x1082  }
0x22: {  	[simem:s7], [sflag:s8] =	dma.local @!p0 [hbm:s6], $0xF7A  }
0x23: {  	s9 =	sor.u32 $0xD0000000, s2;
	s6 =	simm.s32 $0x108;
	_ =	swait.ge @!p0 [sflag:s8], $0x0  }
0x24: {  	s3 =	sadd.s32 $0x88, s3;
	s6 =	simm.s32 @!p1 $0x1082;
	[sflag:s4] =	ssyncset.s32 $0xFFFFF086  }
0x25: {  	[simem:s6], [sflag:s4] =	dma.local [hbm:s3], $0xF7A  }
0x26: {  	[smem:$0x3F9F] =	sst s1;
	(tag) =	ssettag s2;
	_ =	strace s9  }
0x27: {  	s1 =	sld [smem:$0x3FAF]  }
0x28: {  	s2 =	sld [smem:$0x3FB0]  }
0x29: {  	s4 =	sld [smem:$0x3FB2]  }
0x2a: {  	p0 =	seq.s32 s5, $0x0;
	s5 =	sld [smem:$0x3FB3]  }
0x2b: {  	s6 =	sld [smem:$0x3FB4]  }
0x2c: {  	s7 =	sld [smem:$0x3FB5]  }
0x2d: {  	s3 =	simm.s32 $0x108;
	s8 =	sld [smem:$0x3FB6]  }
0x2e: {  	s3 =	simm.s32 @!p0 $0x1082;
	s9 =	sld [smem:$0x3FB7]  }
0x2f: {  	lr =	sadd.s32 s0, s3;
	s0 =	sld [smem:$0x3FAE]  }
0x30: {  	s3 =	sld [smem:$0x3FB1]  }
0x31: {  	[smem:$0x3FBA] =	sst s10  }
0x32: {  	s10 =	sld [smem:$0x3FB8];
	_ =	sdelay $0x3  }
0x33: {  	p0 =	seq.s32 s10, $0x1;
	s10 =	sld [smem:$0x3FBA];
	_ =	sdelay $0x3  }
0x34: {  	[smem:$0x3FBA] =	sst s10  }
0x35: {  	s10 =	sld [smem:$0x3FB9];
	_ =	sdelay $0x3  }
0x36: {  	p1 =	seq.s32 s10, $0x1;
	s10 =	sld [smem:$0x3FBA];
	_ =	sdelay $0x3  }
0x37: {  	[smem:$0x3FBA] =	sst s10  }
0x38: {  	s10 =	sld [smem:$0x3FBB]  }
0x39: {  	_ = 	snop;
	(pc) =	sbr.ind lr, $3  }
0x3a: {  	_ = 	snop  }
0x3b: {  	_ = 	snop  }
0x3c: {  	p2 =	seq.s32 s10, $0x1;
	s10 =	sld [smem:$0x3FBA]  }
0x3d: {  	_ =	shalt  }
0x3e: {  	_ =	shalt  }
0x3f: {  	_ =	shalt  }
0x40: {  	_ =	shalt  }
0x41: {  	_ =	shalt  }
0x42: {  	_ =	shalt  }
0x43: {  	_ =	shalt  }
0x44: {  	_ =	shalt  }
0x45: {  	_ =	shalt  }
0x46: {  	_ =	shalt  }
0x47: {  	_ =	shalt  }
0x48: {  	_ =	shalt  }
0x49: {  	_ =	shalt  }
0x4a: {  	_ =	shalt  }
0x4b: {  	_ =	shalt  }
0x4c: {  	_ =	shalt  }
0x4d: {  	_ =	shalt  }
0x4e: {  	_ =	shalt  }
0x4f: {  	_ =	shalt  }
0x50: {  	_ =	shalt  }
0x51: {  	_ =	shalt  }
0x52: {  	_ =	shalt  }
0x53: {  	_ =	shalt  }
0x54: {  	_ =	shalt  }
0x55: {  	_ =	shalt  }
0x56: {  	_ =	shalt  }
0x57: {  	_ =	shalt  }
0x58: {  	_ =	shalt  }
0x59: {  	_ =	shalt  }
0x5a: {  	_ =	shalt  }
0x5b: {  	_ =	shalt  }
0x5c: {  	_ =	shalt  }
0x5d: {  	_ =	shalt  }
0x5e: {  	_ =	shalt  }
0x5f: {  	_ =	shalt  }
0x60: {  	_ =	shalt  }
0x61: {  	_ =	shalt  }
0x62: {  	_ =	shalt  }
0x63: {  	_ =	shalt  }
0x64: {  	_ =	shalt  }
0x65: {  	_ =	shalt  }
0x66: {  	_ =	shalt  }
0x67: {  	_ =	shalt  }
0x68: {  	_ =	shalt  }
0x69: {  	_ =	shalt  }
0x6a: {  	_ =	shalt  }
0x6b: {  	_ =	shalt  }
0x6c: {  	_ =	shalt  }
0x6d: {  	_ =	shalt  }
0x6e: {  	_ =	shalt  }
0x6f: {  	_ =	shalt  }
0x70: {  	_ =	shalt  }
0x71: {  	_ =	shalt  }
0x72: {  	_ =	shalt  }
0x73: {  	_ =	shalt  }
0x74: {  	_ =	shalt  }
0x75: {  	_ =	shalt  }
0x76: {  	_ =	shalt  }
0x77: {  	_ =	shalt  }
0x78: {  	_ =	shalt  }
0x79: {  	_ =	shalt  }
0x7a: {  	_ =	shalt  }
0x7b: {  	_ =	shalt  }
0x7c: {  	_ =	shalt  }
0x7d: {  	_ =	shalt  }
0x7e: {  	_ =	shalt  }
0x7f: {  	_ =	shalt  }
0x80: {  	_ =	shalt  }
0x81: {  	_ =	shalt  }
0x82: {  	_ =	shalt  }
0x83: {  	_ =	shalt  }
0x84: {  	_ =	shalt  }
0x85: {  	_ =	shalt  }
0x86: {  	_ =	shalt  }
0x87: {  	_ =	shalt  }
.Lfunc_end0:
.L_simem_size_0:
called_computation_lowered:
.L_overlay_start_0:
0x88: {  	s0 =	sld [smem:$0x3FD9]  }
0x89: {  	s1 =	sld [smem:$0x3FFE];
	_ =	sdelay $0x3  }
0x8a: {  	s0 =	sadd.s32 s1, s0  }
0x8b: {  	[smem:$0x3FC6] =	sst s0  }
0x8c: {  	_ = 	snop  }
0x8d: {  	s0 =	sld [smem:$0x3FC9]  }
0x8e: {  	s17 =	sld [smem:$0x3FC8]  }
0x8f: {  	s2 =	sld [smem:$0x3FD0];
	(tm) =	ssettm $0x1  }
0x90: {  	s3 =	sld [smem:$0x3FFB];
	_ =	sdelay $0x3  }
0x91: {  	_ =	strace s3  }
0x92: {  	s3 =	sld [smem:$0x3FFC];
	_ =	sdelay $0x3  }
0x93: {  	_ =	strace s3  }
0x94: {  	s3 =	sld [smem:$0x3FFD];
	_ =	sdelay $0x3  }
0x95: {  	_ =	strace s3  }
0x96: {  	_ =	strace $0x8FFFFFFF  }
0x97: {  	s18 =	sld [smem:$0x3FDB];
	_ =	sdelay $0x1  }
0x98: {  	s4 =	simm.s32 $_scs_section_size  }
0x99: {  	s5 =	simm.s32 $_size__tile_overlayer_lowered;
	s6 =	simm.s32 $_tile_overlayer_lowered  }
0x9a: {  	s21 =	simm.s32 $0x1BFF;
	s20 =	sshll.u32 s6, $0x1;
	s3 =	sadd.s32 s4, s18  }
0x9b: {  	s7 =	simm.s32 $0x0;
	s19 =	sshll.u32 s5, $0x1;
	s5 =	sadd.s32 s20, s3  }
0x9c: {  	[timem:s7], [sflag:s21] =	dma.local [hbm:s5], s19  }
0x9d: {  	_ =	swait.ge [sflag:s21], s19  }
0x9e: {  	s4 =	ssub.s32 $0x0, s19;
	[sflag:s21] =	ssyncset.done $0x0  }
0x9f: {  	[sflag:s21] =	ssyncadd.s32 s4;
	_ =	sdelay $0x1  }
0xa0: {  	s22 =	simm.s32 $0x1B8B  }
0xa1: {  	_ =	swait.ge [sflag:s22], $0x1  }
0xa2: {  	[sflag:s22] =	ssyncset.done $0x0  }
0xa3: {  	s23 =	simm.s32 $0x1B8E;
	[sflag:s22] =	ssyncadd.s32 $0xFFFFFFFF  }
0xa4: {  	s24 =	simm.s32 $execute0_lowered;
	[smem:$0x3FD2] =	sst s23  }
0xa5: {  	s4 =	sshll.u32 s24, $0x1;
	_ =	strace $0x80000046;
	[dreg:$0x1] =	wrdreg $0xFFFFFFFF  }
0xa6: {  	s25 =	simm.s32 $_size_execute0_lowered;
	s3 =	sadd.s32 s3, s4;
	[dreg:$0x0] =	wrdreg $0x0  }
0xa7: {  	s4 =	sshll.u32 s25, $0x1;
	[dreg:$0x2] =	wrdreg s3  }
0xa8: {  	[dreg:$0x3] =	wrdreg s4  }
0xa9: {  	[dreg:$0x4] =	wrdreg $0xC0  }
0xaa: {  	_ =	task [dreg:s7], $0x5FFFF  }
0xab: {  	[dreg:$0x1] =	wrdreg $0xFFFFFFFF  }
0xac: {  	[dreg:$0x0] =	wrdreg $0x60  }
0xad: {  	[dreg:$0x2] =	wrdreg s0  }
0xae: {  	[dreg:$0x3] =	wrdreg s17  }
0xaf: {  	[dreg:$0x4] =	wrdreg s2  }
0xb0: {  	[dreg:$0x5] =	wrdreg $0x9  }
0xb1: {  	_ =	task.clear_ibuf [dreg:s7], $0x6FFFF;
	_ =	strace $0x90000046  }
0xb2: {  	s26 =	simm.s32 $0x9;
	_ =	strace $0x80000048  }
0xb3: {  	_ =	swait.ge [sflag:s26], $0x1  }
0xb4: {  	[sflag:s26] =	ssyncadd.s32 $0xFFFFFFFF  }
0xb5: {  	_ =	strace $0x90000048  }
0xb6: {  	_ =	sfence  }
0xb7: {  	s28 =	sld [smem:$0x0];
	_ =	sdelay $0x1  }
0xb8: {  	s29 =	srdreg.scid  }
0xb9: {  	s30 =	sshll.u32 s29, $0xD;
	s31 =	sshrl.u32 s29, $0x2  }
0xba: {  	s1 =	sand.u32 $0x1, s29;
	s2 =	sand.u32 $0x4000, s30;
	s0 =	sadd.s32 s31, s28  }
0xbb: {  	s1 =	sor.u32 s2, s1;
	s0 =	sshll.u32 s0, $0x11  }
0xbc: {  	s0 =	sor.u32 s0, s1  }
0xbd: {  	s0 =	sadd.s32 $0x8F2B, s0  }
0xbe: {  	[sflag:s0] =	ssyncadd.remote.s32 $0x1  }
0xbf: {  	_ =	sfence.sel $0xFFFF  }
0xc0: {  	[dreg:$0x0] =	wrdreg $0xFFFFFFFF;
	(pc) =	sbr.abs _section_cstart, $3  }
0xc1: {  	[dreg:$0x1] =	wrdreg $0xFFFFFFFF  }
0xc2: {  	_ =	task.clear_ibuf [dreg:s7], $0x2FFFF;
	_ =	strace $0x9FFFFFFF  }
0xc3: {  	(tm) =	ssettm $0x7FFFFFFF  }
tec
execute0_lowered:
.L_overlay_start_1:
0x0: {  	(tag) =	ssettag $0x1  }
0x1: {  	s5 =	rddreg [dreg:$0x0]  }
0x2: {  	s6 =	rddreg [dreg:$0x1]  }
0x3: {  	s3 =	rddreg [dreg:$0x2];
	s2 =	simm.s32 $0x0;
	s1 =	stileid.u32  }
0x4: {  	[smem:$0x7FF] =	sst s2;
	s4 =	sshll.u32 s1, $0x7  }
0x5: {  	s0 =	rddreg [dreg:$0x3];
	_ =	strace $0x80000047;
	s5 =	sadd.s32 s5, s4  }
0x6: {  	[tilespmem:s2], [sflag:$0x1] =	stream.linear.gather [hbm4b:s5+s2], $0x400, $0x38;
	[tilespmem:$0x880] =	vst v63  }
0x7: {  	s26 =	simm.s32 $0x400;
	s28 =	simm.s32 $0x2  }
0x8: {  	[tilespmem:s26], [sflag:$0x2] =	stream.linear.gather [hbm4b:s6+s2], $0x2, $0x38;
	[tilespmem:$0x880] =	vst v63  }
0x9: {  	_ =	swait.ge [sflag:s28], $0x2  }
0xa: {  	[sflag:s28] =	ssyncset.done $0x0  }
0xb: {  	s29 =	simm.s32 $0x1;
	[sflag:s28] =	ssyncadd.s32 $0xFFFFFFFE  }
0xc: {  	_ =	swait.ge [sflag:s29], $0x400  }
0xd: {  	[sflag:s29] =	ssyncset.done $0x0  }
0xe: {  	[sflag:s29] =	ssyncadd.s32 $0xFFFFFC00  }
0xf: {  	v1 =	vld [tilespmem:$0x400]  }
0x10: {  	v2 =	vld [tilespmem:$0x0]  }
0x11: {  	v3 =	vld [tilespmem:$0x10]  }
0x12: {  	v4 =	vld [tilespmem:$0x20]  }
0x13: {  	v5 =	vld [tilespmem:$0x30]  }
0x14: {  	v6 =	vld [tilespmem:$0x40];
	v0 =	vbroadcast v1, $0x1;
	v1 =	vbroadcast v1, $0x0  }
0x15: {  	v55 =	vld [tilespmem:$0x50];
	vm0 =	veq.s32 v2, $0x0  }
0x16: {  	v56 =	vld [tilespmem:$0x60];
	vm13 =	veq.s32 v3, $0x0;
	v7 =	vsel vm0, v1, v0  }
0x17: {  	v58 =	vld [tilespmem:$0x70];
	vm14 =	veq.s32 v4, $0x0;
	v57 =	vsel vm13, v1, v0;
	[tilespmem:$0x480] =	vst v7  }
0x18: {  	v60 =	vld [tilespmem:$0x80];
	vm15 =	veq.s32 v5, $0x0;
	v59 =	vsel vm14, v1, v0;
	[tilespmem:$0x490] =	vst v57  }
0x19: {  	v62 =	vld [tilespmem:$0x90];
	vm4 =	veq.s32 v6, $0x0;
	v61 =	vsel vm15, v1, v0;
	[tilespmem:$0x4A0] =	vst v59  }
0x1a: {  	v9 =	vld [tilespmem:$0xA0];
	vm5 =	veq.s32 v55, $0x0;
	v63 =	vsel vm4, v1, v0;
	[tilespmem:$0x4B0] =	vst v61  }
0x1b: {  	v11 =	vld [tilespmem:$0xB0];
	vm6 =	veq.s32 v56, $0x0;
	v10 =	vsel vm5, v1, v0;
	[tilespmem:$0x4C0] =	vst v63  }
0x1c: {  	v13 =	vld [tilespmem:$0xC0];
	vm7 =	veq.s32 v58, $0x0;
	v12 =	vsel vm6, v1, v0;
	[tilespmem:$0x4D0] =	vst v10  }
0x1d: {  	v15 =	vld [tilespmem:$0xD0];
	vm8 =	veq.s32 v60, $0x0;
	v14 =	vsel vm7, v1, v0;
	[tilespmem:$0x4E0] =	vst v12  }
0x1e: {  	v17 =	vld [tilespmem:$0xE0];
	vm9 =	veq.s32 v62, $0x0;
	v16 =	vsel vm8, v1, v0;
	[tilespmem:$0x4F0] =	vst v14  }
0x1f: {  	v19 =	vld [tilespmem:$0xF0];
	vm10 =	veq.s32 v9, $0x0;
	v18 =	vsel vm9, v1, v0;
	[tilespmem:$0x500] =	vst v16  }
0x20: {  	v21 =	vld [tilespmem:$0x100];
	vm11 =	veq.s32 v11, $0x0;
	v20 =	vsel vm10, v1, v0;
	[tilespmem:$0x510] =	vst v18  }
0x21: {  	v23 =	vld [tilespmem:$0x110];
	vm12 =	veq.s32 v13, $0x0;
	v22 =	vsel vm11, v1, v0;
	[tilespmem:$0x520] =	vst v20  }
0x22: {  	v25 =	vld [tilespmem:$0x120];
	v24 =	vsel vm12, v1, v0;
	vm13 =	veq.s32 v15, $0x0;
	[tilespmem:$0x530] =	vst v22  }
0x23: {  	v27 =	vld [tilespmem:$0x130];
	vm14 =	veq.s32 v17, $0x0;
	[tilespmem:$0x540] =	vst v24;
	v26 =	vsel vm13, v1, v0  }
0x24: {  	v29 =	vld [tilespmem:$0x140];
	vm15 =	veq.s32 v19, $0x0;
	v28 =	vsel vm14, v1, v0;
	[tilespmem:$0x550] =	vst v26  }
0x25: {  	v31 =	vld [tilespmem:$0x150];
	vm4 =	veq.s32 v21, $0x0;
	v30 =	vsel vm15, v1, v0;
	[tilespmem:$0x560] =	vst v28  }
0x26: {  	v33 =	vld [tilespmem:$0x160];
	vm5 =	veq.s32 v23, $0x0;
	v32 =	vsel vm4, v1, v0;
	[tilespmem:$0x570] =	vst v30  }
0x27: {  	v35 =	vld [tilespmem:$0x170];
	vm6 =	veq.s32 v25, $0x0;
	v34 =	vsel vm5, v1, v0;
	[tilespmem:$0x580] =	vst v32  }
0x28: {  	v37 =	vld [tilespmem:$0x180];
	vm7 =	veq.s32 v27, $0x0;
	v36 =	vsel vm6, v1, v0;
	[tilespmem:$0x590] =	vst v34  }
0x29: {  	v39 =	vld [tilespmem:$0x190];
	vm8 =	veq.s32 v29, $0x0;
	v38 =	vsel vm7, v1, v0;
	[tilespmem:$0x5A0] =	vst v36  }
0x2a: {  	v41 =	vld [tilespmem:$0x1A0];
	vm9 =	veq.s32 v31, $0x0;
	v40 =	vsel vm8, v1, v0;
	[tilespmem:$0x5B0] =	vst v38  }
0x2b: {  	v43 =	vld [tilespmem:$0x1B0];
	vm10 =	veq.s32 v33, $0x0;
	v42 =	vsel vm9, v1, v0;
	[tilespmem:$0x5C0] =	vst v40  }
0x2c: {  	v45 =	vld [tilespmem:$0x1C0];
	vm11 =	veq.s32 v35, $0x0;
	v44 =	vsel vm10, v1, v0;
	[tilespmem:$0x5D0] =	vst v42  }
0x2d: {  	v47 =	vld [tilespmem:$0x1D0];
	vm12 =	veq.s32 v37, $0x0;
	v46 =	vsel vm11, v1, v0;
	[tilespmem:$0x5E0] =	vst v44  }
0x2e: {  	v49 =	vld [tilespmem:$0x1E0];
	v48 =	vsel vm12, v1, v0;
	vm13 =	veq.s32 v39, $0x0;
	[tilespmem:$0x5F0] =	vst v46  }
0x2f: {  	v51 =	vld [tilespmem:$0x1F0];
	vm14 =	veq.s32 v41, $0x0;
	[tilespmem:$0x600] =	vst v48;
	v50 =	vsel vm13, v1, v0  }
0x30: {  	v53 =	vld [tilespmem:$0x200];
	vm15 =	veq.s32 v43, $0x0;
	v52 =	vsel vm14, v1, v0;
	[tilespmem:$0x610] =	vst v50  }
0x31: {  	v55 =	vld [tilespmem:$0x210];
	vm4 =	veq.s32 v45, $0x0;
	v54 =	vsel vm15, v1, v0;
	[tilespmem:$0x620] =	vst v52  }
0x32: {  	vm5 =	veq.s32 v47, $0x0;
	v57 =	vld [tilespmem:$0x220];
	v56 =	vsel vm4, v1, v0;
	[tilespmem:$0x630] =	vst v54  }
0x33: {  	vm6 =	veq.s32 v49, $0x0;
	v59 =	vld [tilespmem:$0x230];
	v58 =	vsel vm5, v1, v0;
	[tilespmem:$0x640] =	vst v56  }
0x34: {  	vm7 =	veq.s32 v51, $0x0;
	v61 =	vld [tilespmem:$0x240];
	v60 =	vsel vm6, v1, v0;
	[tilespmem:$0x650] =	vst v58  }
0x35: {  	vm8 =	veq.s32 v53, $0x0;
	v63 =	vld [tilespmem:$0x250];
	v62 =	vsel vm7, v1, v0;
	[tilespmem:$0x660] =	vst v60  }
0x36: {  	v10 =	vld [tilespmem:$0x260];
	v9 =	vsel vm8, v1, v0;
	[tilespmem:$0x670] =	vst v62;
	vm9 =	veq.s32 v55, $0x0  }
0x37: {  	v12 =	vld [tilespmem:$0x270];
	[tilespmem:$0x680] =	vst v9;
	v11 =	vsel vm9, v1, v0;
	vm10 =	veq.s32 v57, $0x0  }
0x38: {  	v14 =	vld [tilespmem:$0x280];
	[tilespmem:$0x690] =	vst v11;
	vm11 =	veq.s32 v59, $0x0;
	v13 =	vsel vm10, v1, v0  }
0x39: {  	v16 =	vld [tilespmem:$0x290];
	vm12 =	veq.s32 v61, $0x0;
	v15 =	vsel vm11, v1, v0;
	[tilespmem:$0x6A0] =	vst v13  }
0x3a: {  	v18 =	vld [tilespmem:$0x2A0];
	vm13 =	veq.s32 v63, $0x0;
	v17 =	vsel vm12, v1, v0;
	[tilespmem:$0x6B0] =	vst v15  }
0x3b: {  	v20 =	vld [tilespmem:$0x2B0];
	vm14 =	veq.s32 v10, $0x0;
	v19 =	vsel vm13, v1, v0;
	[tilespmem:$0x6C0] =	vst v17  }
0x3c: {  	v22 =	vld [tilespmem:$0x2C0];
	vm15 =	veq.s32 v12, $0x0;
	v21 =	vsel vm14, v1, v0;
	[tilespmem:$0x6D0] =	vst v19  }
0x3d: {  	v24 =	vld [tilespmem:$0x2D0];
	vm4 =	veq.s32 v14, $0x0;
	v23 =	vsel vm15, v1, v0;
	[tilespmem:$0x6E0] =	vst v21  }
0x3e: {  	v26 =	vld [tilespmem:$0x2E0];
	vm5 =	veq.s32 v16, $0x0;
	v25 =	vsel vm4, v1, v0;
	[tilespmem:$0x6F0] =	vst v23  }
0x3f: {  	v28 =	vld [tilespmem:$0x2F0];
	vm6 =	veq.s32 v18, $0x0;
	v27 =	vsel vm5, v1, v0;
	[tilespmem:$0x700] =	vst v25  }
0x40: {  	v30 =	vld [tilespmem:$0x300];
	vm7 =	veq.s32 v20, $0x0;
	v29 =	vsel vm6, v1, v0;
	[tilespmem:$0x710] =	vst v27  }
0x41: {  	v32 =	vld [tilespmem:$0x310];
	vm8 =	veq.s32 v22, $0x0;
	v31 =	vsel vm7, v1, v0;
	[tilespmem:$0x720] =	vst v29  }
0x42: {  	v34 =	vld [tilespmem:$0x320];
	vm9 =	veq.s32 v24, $0x0;
	v33 =	vsel vm8, v1, v0;
	[tilespmem:$0x730] =	vst v31  }
0x43: {  	v36 =	vld [tilespmem:$0x330];
	v35 =	vsel vm9, v1, v0;
	vm10 =	veq.s32 v26, $0x0;
	[tilespmem:$0x740] =	vst v33  }
0x44: {  	v38 =	vld [tilespmem:$0x340];
	vm11 =	veq.s32 v28, $0x0;
	[tilespmem:$0x750] =	vst v35;
	v37 =	vsel vm10, v1, v0  }
0x45: {  	v40 =	vld [tilespmem:$0x350];
	vm12 =	veq.s32 v30, $0x0;
	v39 =	vsel vm11, v1, v0;
	[tilespmem:$0x760] =	vst v37  }
0x46: {  	v42 =	vld [tilespmem:$0x360];
	vm13 =	veq.s32 v32, $0x0;
	v41 =	vsel vm12, v1, v0;
	[tilespmem:$0x770] =	vst v39  }
0x47: {  	v44 =	vld [tilespmem:$0x370];
	vm14 =	veq.s32 v34, $0x0;
	v43 =	vsel vm13, v1, v0;
	[tilespmem:$0x780] =	vst v41  }
0x48: {  	v46 =	vld [tilespmem:$0x380];
	vm15 =	veq.s32 v36, $0x0;
	v45 =	vsel vm14, v1, v0;
	[tilespmem:$0x790] =	vst v43  }
0x49: {  	v48 =	vld [tilespmem:$0x390];
	vm4 =	veq.s32 v38, $0x0;
	v47 =	vsel vm15, v1, v0;
	[tilespmem:$0x7A0] =	vst v45  }
0x4a: {  	v50 =	vld [tilespmem:$0x3A0];
	vm5 =	veq.s32 v40, $0x0;
	v49 =	vsel vm4, v1, v0;
	[tilespmem:$0x7B0] =	vst v47  }
0x4b: {  	v52 =	vld [tilespmem:$0x3B0];
	vm6 =	veq.s32 v42, $0x0;
	v51 =	vsel vm5, v1, v0;
	[tilespmem:$0x7C0] =	vst v49  }
0x4c: {  	v54 =	vld [tilespmem:$0x3C0];
	vm7 =	veq.s32 v44, $0x0;
	v53 =	vsel vm6, v1, v0;
	[tilespmem:$0x7D0] =	vst v51  }
0x4d: {  	v56 =	vld [tilespmem:$0x3D0];
	vm8 =	veq.s32 v46, $0x0;
	v55 =	vsel vm7, v1, v0;
	[tilespmem:$0x7E0] =	vst v53  }
0x4e: {  	v58 =	vld [tilespmem:$0x3E0];
	vm9 =	veq.s32 v48, $0x0;
	v57 =	vsel vm8, v1, v0;
	[tilespmem:$0x7F0] =	vst v55  }
0x4f: {  	v60 =	vld [tilespmem:$0x3F0];
	v59 =	vsel vm9, v1, v0;
	vm10 =	veq.s32 v50, $0x0;
	[tilespmem:$0x800] =	vst v57  }
0x50: {  	vm11 =	veq.s32 v52, $0x0;
	[tilespmem:$0x810] =	vst v59;
	v61 =	vsel vm10, v1, v0  }
0x51: {  	vm12 =	veq.s32 v54, $0x0;
	v6 =	vsel vm11, v1, v0;
	[tilespmem:$0x820] =	vst v61  }
0x52: {  	vm13 =	veq.s32 v56, $0x0;
	v2 =	vsel vm12, v1, v0;
	[tilespmem:$0x830] =	vst v6  }
0x53: {  	vm14 =	veq.s32 v58, $0x0;
	v62 =	vsel vm13, v1, v0;
	[tilespmem:$0x840] =	vst v2  }
0x54: {  	vm15 =	veq.s32 v60, $0x0;
	v63 =	vsel vm14, v1, v0;
	[tilespmem:$0x850] =	vst v62  }
0x55: {  	v0 =	vsel vm15, v1, v0;
	[tilespmem:$0x860] =	vst v63  }
0x56: {  	s30 =	simm.s32 $0x480;
	s31 =	simm.s32 $0x3;
	s3 =	sadd.s32 s3, s4;
	[tilespmem:$0x870] =	vst v0  }
0x57: {  	[hbm4b:s3+s2] =	stream.linear.scatter [tilespmem:s30], [sflag:$0x3], $0x400, $0x38;
	[tilespmem:$0x880] =	vst v63  }
0x58: {  	_ =	swait.ge [sflag:s31], $0x400  }
0x59: {  	[sflag:s31] =	ssyncset.done $0x0  }
0x5a: {  	[sflag:s31] =	ssyncadd.s32 $0xFFFFFC00  }
0x5b: {  	_ =	sfence.sel $0x180000  }
0x5c: {  	[bflag:$0x0] =	sbarrier.arrive $0xFFFF  }
0x5d: {  	p0 =	sne.s32 s1, $0x0;
	_ =	strace $0x90000047  }
0x5e: {  	s0 =	sadd.s32 @!p0 $0x100000, s0;
	[bflag:$0x2] =	sbarrier.arrive $0xFFFF  }
0x5f: {  	[sflag:s0] =	ssyncadd.tile.s32 @!p0 $0x1;
	_ =	shalt  }
.Lfunc_end2:
_tile_overlayer_lowered:
.L_overlay_start_2:
0x60: {  	(tag) =	ssettag $0x2  }
0x61: {  	s0 =	rddreg [dreg:$0x0];
	s2 =	stileid.u32  }
0x62: {  	s1 =	rddreg [dreg:$0x1];
	p0 =	sne.s32 s2, $0x0  }
0x63: {  	s3 =	rddreg [dreg:$0x2];
	[bflag:$0x3] =	sbarrier.arrive $0xFFFF;
	s2 =	simm.s32 @!p0 $0x1C03  }
0x64: {  	[timem:s3], [sflag:s2] =	dma.local @!p0 [hbm:s0], s1  }
0x65: {  	s0 =	simm.s32 @!p0 $0x3  }
0x66: {  	_ =	swait.ge @!p0 [sflag:s0], s1  }
0x67: {  	s1 =	ssub.s32 @!p0 $0x0, s1;
	[sflag:s0] =	ssyncset.done @!p0 $0x0  }
0x68: {  	[sflag:s0] =	ssyncadd.s32 @!p0 s1  }
0x69: {  	[bflag:$0x3] =	sbarrier.arrive $0xFFFF  }
0x6a: {  	_ =	shalt  }

</sc_bundles>
